<compile_context>
chip_gen: v7x
topology: tpu7x:2x2x1
jax: 0.10.2.dev20260603
libtpu: 0.0.44.dev20260713+nightly
codegen_flags: <defaults>
</compile_context>

<pallas_src>
import functools

import jax
import jax.numpy as jnp
from jax import lax
from jax.experimental import pallas as pl
from jax.experimental.pallas import tpu as pltpu
from jax.experimental.pallas import tpu_sc as plsc

_N = 10000
_E = 320000
_D = 128
_G = 128
_C = 16

_NC = 2
_NS = 16
_NW = _NC * _NS
_CH = 128
_NCK = _E // _CH
_CPW = _NCK // _NW
_RMAIN = 624
_CPR = 48
_RREM = _N - _NS * _RMAIN


def _bn_relu(h, g, be):
    m = jnp.mean(h, axis=0, keepdims=True)
    v = jnp.mean((h - m) ** 2, axis=0, keepdims=True)
    return jnp.maximum((h - m) * lax.rsqrt(v + 1e-5) * g + be, 0.0)


def _mlp_block(h, W1, b1, g1, be1, W2, b2, g2, be2):
    h = jnp.dot(h, W1, preferred_element_type=jnp.float32) + b1
    h = _bn_relu(h, g1, be1)
    h = jnp.dot(h, W2, preferred_element_type=jnp.float32) + b2
    return _bn_relu(h, g2, be2)


def _pool_mats(batch_row):
    onehot = (batch_row == lax.broadcasted_iota(jnp.int32, (_G, _N), 0)
              ).astype(jnp.float32)
    counts = jnp.sum(onehot, axis=1, keepdims=True)
    return onehot, counts


def _tc1_body(x_ref, W1, b1, g1, be1, W2, b2, g2, be2, x1_out):
    x1_out[...] = _mlp_block(x_ref[...], W1[...], b1[...], g1[...], be1[...],
                             W2[...], b2[...], g2[...], be2[...])


def _tcp_body(x1_ref, batch_ref, l0W, l0b, out0_out):
    onehot, counts = _pool_mats(batch_ref[...])
    pooled = jnp.dot(onehot, x1_ref[...], preferred_element_type=jnp.float32)
    out0_out[...] = (jnp.dot(pooled, l0W[...], preferred_element_type=jnp.float32)
                     + counts * l0b[...])


def _tc2_body(agg_ref, batch_ref, out0_ref, W1, b1, g1, be1,
              W2, b2, g2, be2, l1W, l1b, out_ref):
    z = agg_ref[0] + agg_ref[1]
    x2 = _mlp_block(z, W1[...], b1[...], g1[...], be1[...],
                    W2[...], b2[...], g2[...], be2[...])
    onehot, counts = _pool_mats(batch_ref[...])
    pooled = jnp.dot(onehot, x2, preferred_element_type=jnp.float32)
    out = (out0_ref[...]
           + jnp.dot(pooled, l1W[...], preferred_element_type=jnp.float32)
           + counts * l1b[...])
    mx = jnp.max(out, axis=-1, keepdims=True)
    e = jnp.exp(out - mx)
    out_ref[...] = out - mx - jnp.log(jnp.sum(e, axis=-1, keepdims=True))


def _sc_agg_body(edges_hbm, x1_hbm, out_hbm,
                 sidx_a, didx_a, sidx_b, didx_b, rows_a, rows_b, acc,
                 sem_sa, sem_ta, sem_sb, sem_tb, sem_a, sem_b):
    c = lax.axis_index("c")
    s = lax.axis_index("s")
    w = s * _NC + c
    kb = w * _CPW

    pltpu.async_copy(edges_hbm.at[0, kb], sidx_a, sem_sa)
    pltpu.async_copy(edges_hbm.at[1, kb], didx_a, sem_ta)
    pltpu.async_copy(edges_hbm.at[0, kb + 1], sidx_b, sem_sb)
    pltpu.async_copy(edges_hbm.at[1, kb + 1], didx_b, sem_tb)

    row0 = s * _RMAIN

    @pl.when(c == 0)
    def _():
        pltpu.sync_copy(x1_hbm.at[pl.ds(row0, _RMAIN)],
                        acc.at[pl.ds(row0, _RMAIN)])

        @pl.when(s == _NS - 1)
        def _():
            pltpu.sync_copy(x1_hbm.at[pl.ds(_NS * _RMAIN, _RREM)],
                            acc.at[pl.ds(_NS * _RMAIN, _RREM)])

    @pl.when(c == 1)
    def _():
        def zstore(i, _):
            r = i // (_D // 16)
            col = (i % (_D // 16)) * 16
            rows_a[r, pl.ds(col, 16)] = jnp.zeros((16,), jnp.float32)
            return 0
        lax.fori_loop(0, _CPR * _D // 16, zstore, 0)
        for b in range(_RMAIN // _CPR):
            pltpu.sync_copy(rows_a.at[pl.ds(0, _CPR)],
                            acc.at[pl.ds(row0 + b * _CPR, _CPR)])

        @pl.when(s == _NS - 1)
        def _():
            pltpu.sync_copy(rows_a.at[pl.ds(0, _RREM)],
                            acc.at[pl.ds(_NS * _RMAIN, _RREM)])

    pltpu.make_async_copy(edges_hbm.at[0, kb], sidx_a, sem_sa).wait()
    pltpu.async_copy(x1_hbm.at[sidx_a], rows_a, sem_a)
    pltpu.make_async_copy(edges_hbm.at[0, kb + 1], sidx_b, sem_sb).wait()
    pltpu.async_copy(x1_hbm.at[sidx_b], rows_b, sem_b)
    plsc.subcore_barrier()

    def half(j, sidx, didx, rows, sem_s, sem_t, sem_r):
        pltpu.make_async_copy(x1_hbm.at[sidx], rows, sem_r).wait()
        kn = kb + jnp.minimum(j + 2, _CPW - 1)
        pltpu.async_copy(edges_hbm.at[0, kn], sidx, sem_s)
        pltpu.make_async_copy(edges_hbm.at[1, kn], didx, sem_t).wait()
        pltpu.sync_copy(rows, acc.at[didx], add=True)
        pltpu.async_copy(edges_hbm.at[1, kn], didx, sem_t)
        pltpu.make_async_copy(edges_hbm.at[0, kn], sidx, sem_s).wait()
        pltpu.async_copy(x1_hbm.at[sidx], rows, sem_r)

    def step(i, _):
        j = 2 * i
        half(j, sidx_a, didx_a, rows_a, sem_sa, sem_ta, sem_a)
        half(j + 1, sidx_b, didx_b, rows_b, sem_sb, sem_tb, sem_b)
        return 0
    lax.fori_loop(0, _CPW // 2, step, 0)

    pltpu.make_async_copy(x1_hbm.at[sidx_a], rows_a, sem_a).wait()
    pltpu.make_async_copy(x1_hbm.at[sidx_b], rows_b, sem_b).wait()
    pltpu.make_async_copy(edges_hbm.at[1, kb], didx_a, sem_ta).wait()
    pltpu.make_async_copy(edges_hbm.at[1, kb], didx_b, sem_tb).wait()

    @pl.when(w < _NCK - _NW * _CPW)
    def _():
        ke = _NW * _CPW + w
        pltpu.sync_copy(edges_hbm.at[0, ke], sidx_a)
        pltpu.sync_copy(edges_hbm.at[1, ke], didx_a)
        pltpu.async_copy(x1_hbm.at[sidx_a], rows_a, sem_a).wait()
        pltpu.sync_copy(rows_a, acc.at[didx_a], add=True)
    plsc.subcore_barrier()

    pltpu.sync_copy(acc.at[pl.ds(row0, _RMAIN)],
                    out_hbm.at[c, pl.ds(row0, _RMAIN)])

    @pl.when(s == _NS - 1)
    def _():
        pltpu.sync_copy(acc.at[pl.ds(_NS * _RMAIN, _RREM)],
                        out_hbm.at[c, pl.ds(_NS * _RMAIN, _RREM)])


@functools.cache
def _sc_agg():
    return pl.kernel(
        _sc_agg_body,
        out_type=jax.ShapeDtypeStruct((_NC, _N, _D), jnp.float32),
        mesh=plsc.VectorSubcoreMesh(core_axis_name="c", subcore_axis_name="s",
                                    num_cores=_NC, num_subcores=_NS),
        scratch_types=[
            pltpu.VMEM((_CH,), jnp.int32),
            pltpu.VMEM((_CH,), jnp.int32),
            pltpu.VMEM((_CH,), jnp.int32),
            pltpu.VMEM((_CH,), jnp.int32),
            pltpu.VMEM((_CH, _D), jnp.float32),
            pltpu.VMEM((_CH, _D), jnp.float32),
            pltpu.VMEM_SHARED((_N, _D), jnp.float32),
            pltpu.SemaphoreType.DMA,
            pltpu.SemaphoreType.DMA,
            pltpu.SemaphoreType.DMA,
            pltpu.SemaphoreType.DMA,
            pltpu.SemaphoreType.DMA,
            pltpu.SemaphoreType.DMA,
        ],
    )


def kernel(x, edge_index, batch, fh_W1, fh_b1, fh_g1, fh_be1, fh_W2, fh_b2,
           fh_g2, fh_be2, nn_W1, nn_b1, nn_g1, nn_be1, nn_W2, nn_b2, nn_g2,
           nn_be2, lin0_W, lin0_b, lin1_W, lin1_b):
    batch_row = batch.reshape(1, _N)
    r = lambda v: v.reshape(1, -1)

    x1 = pl.pallas_call(
        _tc1_body,
        out_shape=jax.ShapeDtypeStruct((_N, _D), jnp.float32),
    )(x, fh_W1, r(fh_b1), r(fh_g1), r(fh_be1),
      fh_W2, r(fh_b2), r(fh_g2), r(fh_be2))

    edges3 = edge_index.reshape(2, _NCK, _CH)
    aggp = _sc_agg()(edges3, x1)

    out0 = pl.pallas_call(
        _tcp_body,
        out_shape=jax.ShapeDtypeStruct((_G, _C), jnp.float32),
    )(x1, batch_row, lin0_W, r(lin0_b))

    out = pl.pallas_call(
        _tc2_body,
        out_shape=jax.ShapeDtypeStruct((_G, _C), jnp.float32),
    )(aggp, batch_row, out0, nn_W1, r(nn_b1), r(nn_g1), r(nn_be1),
      nn_W2, r(nn_b2), r(nn_g2), r(nn_be2), lin1_W, r(lin1_b))
    return out

# --- scband reference (transcript-rebuilt; emitter-appended) ---
"""Pipeline reference for scband-gin-14671608283166 (READ-ONLY COPY).

The authoritative reference and input builder live on the scoring server;
editing this copy changes nothing except your own understanding.
"""

import jax, jax.numpy as jnp
import numpy as np

N = 10000
E = 320000
D = 128
H = 128
C = 16
G = 128

def setup_inputs(seed: int = 0):
    key = jax.random.key(seed)
    ks = jax.random.split(key, 16)
    def lin_w(k, fi, fo):
        return (jax.random.normal(k, (fi, fo), jnp.float32) / np.sqrt(fi)).astype(jnp.float32)
    inp = {}
    inp['x'] = jax.random.normal(ks[0], (N, D), jnp.float32)
    inp['edge_index'] = jax.random.randint(ks[1], (2, E), 0, N)
    inp['batch'] = jnp.sort(jax.random.randint(ks[2], (N,), 0, G))
    # first_h MLP params (Linear-BN-ReLU-Linear-BN-ReLU)
    inp['fh_W1'] = lin_w(ks[3], D, H); inp['fh_b1'] = jnp.zeros((H,), jnp.float32)
    inp['fh_g1'] = jnp.ones((H,), jnp.float32); inp['fh_be1'] = jnp.zeros((H,), jnp.float32)
    inp['fh_W2'] = lin_w(ks[4], H, H); inp['fh_b2'] = jnp.zeros((H,), jnp.float32)
    inp['fh_g2'] = jnp.ones((H,), jnp.float32); inp['fh_be2'] = jnp.zeros((H,), jnp.float32)
    # GINConv nn MLP params (layer 1)
    inp['nn_W1'] = lin_w(ks[5], H, H); inp['nn_b1'] = jnp.zeros((H,), jnp.float32)
    inp['nn_g1'] = jnp.ones((H,), jnp.float32); inp['nn_be1'] = jnp.zeros((H,), jnp.float32)
    inp['nn_W2'] = lin_w(ks[6], H, H); inp['nn_b2'] = jnp.zeros((H,), jnp.float32)
    inp['nn_g2'] = jnp.ones((H,), jnp.float32); inp['nn_be2'] = jnp.zeros((H,), jnp.float32)
    # per-layer classification heads
    inp['lin0_W'] = lin_w(ks[7], H, C); inp['lin0_b'] = jnp.zeros((C,), jnp.float32)
    inp['lin1_W'] = lin_w(ks[8], H, C); inp['lin1_b'] = jnp.zeros((C,), jnp.float32)
    return inp

def _bn(h, g, b):
    m = jnp.mean(h, axis=0)
    v = jnp.var(h, axis=0)
    return (h - m) / jnp.sqrt(v + 1e-5) * g + b

def _mlp(h, W1, b1, g1, be1, W2, b2, g2, be2):
    h = jax.nn.relu(_bn(h @ W1 + b1, g1, be1))
    h = jax.nn.relu(_bn(h @ W2 + b2, g2, be2))
    return h

def reference(x, edge_index, batch, fh_W1, fh_b1, fh_g1, fh_be1, fh_W2, fh_b2, fh_g2, fh_be2, nn_W1, nn_b1, nn_g1, nn_be1, nn_W2, nn_b2, nn_g2, nn_be2, lin0_W, lin0_b, lin1_W, lin1_b):
    # layer 0: first_h MLP, then per-node head + global_add_pool
    x1 = _mlp(x, fh_W1, fh_b1, fh_g1, fh_be1, fh_W2, fh_b2, fh_g2, fh_be2)
    out = jax.ops.segment_sum(x1 @ lin0_W + lin0_b, batch, num_segments=G)
    # layer 1: GINConv with eps=0 (train_eps=False): nn((1+eps)*x + sum_{j in N(i)} x_j)
    src = edge_index[0]
    dst = edge_index[1]
    agg = jax.ops.segment_sum(jnp.take(x1, src, axis=0), dst, num_segments=N)
    x2 = _mlp(x1 + agg, nn_W1, nn_b1, nn_g1, nn_be1, nn_W2, nn_b2, nn_g2, nn_be2)
    out = out + (jax.ops.segment_sum(x2, batch, num_segments=G) @ lin1_W + lin1_b)
    return jax.nn.log_softmax(out, axis=-1)

if __name__ == "__main__":
    import jax
    _d = setup_inputs()
    print(jax.jit(kernel)(*tuple(_d.values())))

</pallas_src>

<mosaic_0001>
#map = affine_map<(d0, d1) -> (0, 0, 0)>
#map1 = affine_map<(d0, d1) -> (0, 0)>
module attributes {stable_mosaic.version = 14 : i64} {
  func.func @_sc_agg_body(%arg0: i32, %arg1: i32, %arg2: memref<2x2500x128xi32, #tpu.memory_space<hbm>>, %arg3: memref<10000x128xf32, #tpu.memory_space<hbm>>, %arg4: memref<2x10000x128xf32, #tpu.memory_space<hbm>>, %arg5: memref<128xi32, #tpu.memory_space<vmem>>, %arg6: memref<128xi32, #tpu.memory_space<vmem>>, %arg7: memref<128xi32, #tpu.memory_space<vmem>>, %arg8: memref<128xi32, #tpu.memory_space<vmem>>, %arg9: memref<128x128xf32, #tpu.memory_space<vmem>>, %arg10: memref<128x128xf32, #tpu.memory_space<vmem>>, %arg11: memref<10000x128xf32, #tpu.memory_space<vmem_shared>>, %arg12: memref<!tpu.dma_semaphore, #tpu.memory_space<semaphore_mem>>, %arg13: memref<!tpu.dma_semaphore, #tpu.memory_space<semaphore_mem>>, %arg14: memref<!tpu.dma_semaphore, #tpu.memory_space<semaphore_mem>>, %arg15: memref<!tpu.dma_semaphore, #tpu.memory_space<semaphore_mem>>, %arg16: memref<!tpu.dma_semaphore, #tpu.memory_space<semaphore_mem>>, %arg17: memref<!tpu.dma_semaphore, #tpu.memory_space<semaphore_mem>>) attributes {dimension_semantics = [#tpu.dimension_semantics<core_parallel>, #tpu.dimension_semantics<subcore_parallel>], iteration_bounds = array<i64: 2, 16>, scalar_prefetch = 0 : i64, scratch_operands = 13 : i64, tpu.core_type = #tpu.core_type<sc_vector_subcore>, window_params = [{transform_indices = #map}, {transform_indices = #map1}, {transform_indices = #map}]} {
    %mul3A = arith.constant 2 : i32
    %mul3A_0 = arith.muli %arg1, %mul3A : i32
    %add3A = arith.addi %mul3A_0, %arg0 : i32
    %mul3A_1 = arith.constant 78 : i32
    %mul3A_2 = arith.muli %add3A, %mul3A_1 : i32
    %dma_start3A = arith.constant 0 : i32
    %dma_start3A_3 = arith.constant 0 : i32
    %dma_start3A_4 = tpu.memref_slice %arg2[%dma_start3A, %mul3A_2, %dma_start3A_3] : memref<2x2500x128xi32, #tpu.memory_space<hbm>> -> memref<1x1x128xi32, #tpu.memory_space<hbm>>
    %dma_start3A_5 = tpu.memref_squeeze %dma_start3A_4 : memref<1x1x128xi32, #tpu.memory_space<hbm>> -> memref<128xi32, #tpu.memory_space<hbm>>
    %dma_start3A_6 = arith.constant 0 : i32
    %dma_start3A_7 = tpu.memref_slice %arg2[%dma_start3A, %mul3A_2, %dma_start3A_6] : memref<2x2500x128xi32, #tpu.memory_space<hbm>> -> memref<1x1x128xi32, #tpu.memory_space<hbm>>
    %dma_start3A_8 = tpu.memref_squeeze %dma_start3A_7 : memref<1x1x128xi32, #tpu.memory_space<hbm>> -> memref<128xi32, #tpu.memory_space<hbm>>
    tpu.enqueue_dma source(%dma_start3A_8 : memref<128xi32, #tpu.memory_space<hbm>>) target(%arg5 : memref<128xi32, #tpu.memory_space<vmem>>) target_semaphore(%arg12 : memref<!tpu.dma_semaphore, #tpu.memory_space<semaphore_mem>>)
    %dma_start3A_9 = arith.constant 1 : i32
    %dma_start3A_10 = arith.constant 0 : i32
    %dma_start3A_11 = tpu.memref_slice %arg2[%dma_start3A_9, %mul3A_2, %dma_start3A_10] : memref<2x2500x128xi32, #tpu.memory_space<hbm>> -> memref<1x1x128xi32, #tpu.memory_space<hbm>>
    %dma_start3A_12 = tpu.memref_squeeze %dma_start3A_11 : memref<1x1x128xi32, #tpu.memory_space<hbm>> -> memref<128xi32, #tpu.memory_space<hbm>>
    %dma_start3A_13 = arith.constant 0 : i32
    %dma_start3A_14 = tpu.memref_slice %arg2[%dma_start3A_9, %mul3A_2, %dma_start3A_13] : memref<2x2500x128xi32, #tpu.memory_space<hbm>> -> memref<1x1x128xi32, #tpu.memory_space<hbm>>
    %dma_start3A_15 = tpu.memref_squeeze %dma_start3A_14 : memref<1x1x128xi32, #tpu.memory_space<hbm>> -> memref<128xi32, #tpu.memory_space<hbm>>
    tpu.enqueue_dma source(%dma_start3A_15 : memref<128xi32, #tpu.memory_space<hbm>>) target(%arg6 : memref<128xi32, #tpu.memory_space<vmem>>) target_semaphore(%arg13 : memref<!tpu.dma_semaphore, #tpu.memory_space<semaphore_mem>>)
    %add3A_16 = arith.constant 1 : i32
    %add3A_17 = arith.addi %mul3A_2, %add3A_16 : i32
    %dma_start3A_18 = arith.constant 0 : i32
    %dma_start3A_19 = arith.constant 0 : i32
    %dma_start3A_20 = tpu.memref_slice %arg2[%dma_start3A_18, %add3A_17, %dma_start3A_19] : memref<2x2500x128xi32, #tpu.memory_space<hbm>> -> memref<1x1x128xi32, #tpu.memory_space<hbm>>
    %dma_start3A_21 = tpu.memref_squeeze %dma_start3A_20 : memref<1x1x128xi32, #tpu.memory_space<hbm>> -> memref<128xi32, #tpu.memory_space<hbm>>
    %dma_start3A_22 = arith.constant 0 : i32
    %dma_start3A_23 = tpu.memref_slice %arg2[%dma_start3A_18, %add3A_17, %dma_start3A_22] : memref<2x2500x128xi32, #tpu.memory_space<hbm>> -> memref<1x1x128xi32, #tpu.memory_space<hbm>>
    %dma_start3A_24 = tpu.memref_squeeze %dma_start3A_23 : memref<1x1x128xi32, #tpu.memory_space<hbm>> -> memref<128xi32, #tpu.memory_space<hbm>>
    tpu.enqueue_dma source(%dma_start3A_24 : memref<128xi32, #tpu.memory_space<hbm>>) target(%arg7 : memref<128xi32, #tpu.memory_space<vmem>>) target_semaphore(%arg14 : memref<!tpu.dma_semaphore, #tpu.memory_space<semaphore_mem>>)
    %add3A_25 = arith.constant 1 : i32
    %add3A_26 = arith.addi %mul3A_2, %add3A_25 : i32
    %dma_start3A_27 = arith.constant 1 : i32
    %dma_start3A_28 = arith.constant 0 : i32
    %dma_start3A_29 = tpu.memref_slice %arg2[%dma_start3A_27, %add3A_26, %dma_start3A_28] : memref<2x2500x128xi32, #tpu.memory_space<hbm>> -> memref<1x1x128xi32, #tpu.memory_space<hbm>>
    %dma_start3A_30 = tpu.memref_squeeze %dma_start3A_29 : memref<1x1x128xi32, #tpu.memory_space<hbm>> -> memref<128xi32, #tpu.memory_space<hbm>>
    %dma_start3A_31 = arith.constant 0 : i32
    %dma_start3A_32 = tpu.memref_slice %arg2[%dma_start3A_27, %add3A_26, %dma_start3A_31] : memref<2x2500x128xi32, #tpu.memory_space<hbm>> -> memref<1x1x128xi32, #tpu.memory_space<hbm>>
    %dma_start3A_33 = tpu.memref_squeeze %dma_start3A_32 : memref<1x1x128xi32, #tpu.memory_space<hbm>> -> memref<128xi32, #tpu.memory_space<hbm>>
    tpu.enqueue_dma source(%dma_start3A_33 : memref<128xi32, #tpu.memory_space<hbm>>) target(%arg8 : memref<128xi32, #tpu.memory_space<vmem>>) target_semaphore(%arg15 : memref<!tpu.dma_semaphore, #tpu.memory_space<semaphore_mem>>)
    %mul3A_34 = arith.constant 624 : i32
    %mul3A_35 = arith.muli %arg1, %mul3A_34 : i32
    %eq3A = arith.constant 0 : i32
    %eq3A_36 = arith.cmpi eq, %arg0, %eq3A : i32
    %convert_element_type3A = arith.extui %eq3A_36 : i1 to i32
    %cond3A = arith.constant 0 : i32
    %cond3A_37 = arith.cmpi ne, %convert_element_type3A, %cond3A : i32
    scf.if %cond3A_37 {
      "tpu.region"() ({
        %run_scoped3A = tpu.sem_alloc : memref<!tpu.dma_semaphore, #tpu.memory_space<semaphore_mem>>
        %dma_start3A_105 = arith.constant 0 : i32
        %dma_start3A_106 = tpu.memref_slice %arg11[%mul3A_35, %dma_start3A_105] : memref<10000x128xf32, #tpu.memory_space<vmem_shared>> -> memref<624x128xf32, #tpu.memory_space<vmem_shared>>
        %dma_start3A_107 = arith.constant 0 : i32
        %dma_start3A_108 = tpu.memref_slice %arg3[%mul3A_35, %dma_start3A_107] : memref<10000x128xf32, #tpu.memory_space<hbm>> -> memref<624x128xf32, #tpu.memory_space<hbm>>
        tpu.enqueue_dma source(%dma_start3A_108 : memref<624x128xf32, #tpu.memory_space<hbm>>) target(%dma_start3A_106 : memref<624x128xf32, #tpu.memory_space<vmem_shared>>) target_semaphore(%run_scoped3A : memref<!tpu.dma_semaphore, #tpu.memory_space<semaphore_mem>>)
        %dma_wait3A_109 = arith.constant 0 : i32
        %dma_wait3A_110 = tpu.memref_slice %arg11[%mul3A_35, %dma_wait3A_109] : memref<10000x128xf32, #tpu.memory_space<vmem_shared>> -> memref<624x128xf32, #tpu.memory_space<vmem_shared>>
        %dma_wait3A_111 = arith.constant 0 : i32
        %dma_wait3A_112 = tpu.memref_slice %arg3[%mul3A_35, %dma_wait3A_111] : memref<10000x128xf32, #tpu.memory_space<hbm>> -> memref<624x128xf32, #tpu.memory_space<hbm>>
        tpu.wait_dma2 semaphore(%run_scoped3A : memref<!tpu.dma_semaphore, #tpu.memory_space<semaphore_mem>>) src(%dma_wait3A_112 : memref<624x128xf32, #tpu.memory_space<hbm>>) dst(%dma_wait3A_110 : memref<624x128xf32, #tpu.memory_space<vmem_shared>>)
        tpu.yield
      }) : () -> ()
      %eq3A_100 = arith.constant 15 : i32
      %eq3A_101 = arith.cmpi eq, %arg1, %eq3A_100 : i32
      %convert_element_type3A_102 = arith.extui %eq3A_101 : i1 to i32
      %cond3A_103 = arith.constant 0 : i32
      %cond3A_104 = arith.cmpi ne, %convert_element_type3A_102, %cond3A_103 : i32
      scf.if %cond3A_104 {
        "tpu.region"() ({
          %run_scoped3A = tpu.sem_alloc : memref<!tpu.dma_semaphore, #tpu.memory_space<semaphore_mem>>
          %dma_start3A_105 = arith.constant 9984 : i32
          %dma_start3A_106 = arith.constant 0 : i32
          %dma_start3A_107 = tpu.memref_slice %arg11[%dma_start3A_105, %dma_start3A_106] : memref<10000x128xf32, #tpu.memory_space<vmem_shared>> -> memref<16x128xf32, #tpu.memory_space<vmem_shared>>
          %dma_start3A_108 = arith.constant 9984 : i32
          %dma_start3A_109 = arith.constant 0 : i32
          %dma_start3A_110 = tpu.memref_slice %arg3[%dma_start3A_108, %dma_start3A_109] : memref<10000x128xf32, #tpu.memory_space<hbm>> -> memref<16x128xf32, #tpu.memory_space<hbm>>
          tpu.enqueue_dma source(%dma_start3A_110 : memref<16x128xf32, #tpu.memory_space<hbm>>) target(%dma_start3A_107 : memref<16x128xf32, #tpu.memory_space<vmem_shared>>) target_semaphore(%run_scoped3A : memref<!tpu.dma_semaphore, #tpu.memory_space<semaphore_mem>>)
          %dma_wait3A_111 = arith.constant 9984 : i32
          %dma_wait3A_112 = arith.constant 0 : i32
          %dma_wait3A_113 = tpu.memref_slice %arg11[%dma_wait3A_111, %dma_wait3A_112] : memref<10000x128xf32, #tpu.memory_space<vmem_shared>> -> memref<16x128xf32, #tpu.memory_space<vmem_shared>>
          %dma_wait3A_114 = arith.constant 9984 : i32
          %dma_wait3A_115 = arith.constant 0 : i32
          %dma_wait3A_116 = tpu.memref_slice %arg3[%dma_wait3A_114, %dma_wait3A_115] : memref<10000x128xf32, #tpu.memory_space<hbm>> -> memref<16x128xf32, #tpu.memory_space<hbm>>
          tpu.wait_dma2 semaphore(%run_scoped3A : memref<!tpu.dma_semaphore, #tpu.memory_space<semaphore_mem>>) src(%dma_wait3A_116 : memref<16x128xf32, #tpu.memory_space<hbm>>) dst(%dma_wait3A_113 : memref<16x128xf32, #tpu.memory_space<vmem_shared>>)
          tpu.yield
        }) : () -> ()
      } else {
      }
    } else {
    }
    %eq3A_38 = arith.constant 1 : i32
    %eq3A_39 = arith.cmpi eq, %arg0, %eq3A_38 : i32
    %convert_element_type3A_40 = arith.extui %eq3A_39 : i1 to i32
    %cond3A_41 = arith.constant 0 : i32
    %cond3A_42 = arith.cmpi ne, %convert_element_type3A_40, %cond3A_41 : i32
    scf.if %cond3A_42 {
      %scan3A_100 = arith.constant 0 : i32
      %scan3A_101 = arith.constant 0 : i32
      %scan3A_102 = arith.constant 384 : i32
      %scan3A_103 = arith.addi %scan3A_101, %scan3A_102 : i32
      %scan3A_104 = arith.constant 1 : i32
      %scan3A_105 = scf.for %scan3A_138 = %scan3A_101 to %scan3A_103 step %scan3A_104 iter_args(%scan3A_139 = %scan3A_100) -> (i32)  : i32 {
        %jit3A = arith.constant 8 : i32
        %div3A = arith.divsi %scan3A_138, %jit3A : i32
        %sign3A = arith.constant 0 : i32
        %sign3A_140 = arith.cmpi sgt, %scan3A_138, %sign3A : i32
        %sign3A_141 = arith.extui %sign3A_140 : i1 to i32
        %sign3A_142 = arith.constant 0 : i32
        %sign3A_143 = arith.cmpi slt, %scan3A_138, %sign3A_142 : i32
        %sign3A_144 = arith.extui %sign3A_143 : i1 to i32
        %sign3A_145 = arith.subi %sign3A_141, %sign3A_144 : i32
        %sign3A_146 = arith.constant 0 : i32
        %sign3A_147 = arith.cmpi sgt, %jit3A, %sign3A_146 : i32
        %sign3A_148 = arith.extui %sign3A_147 : i1 to i32
        %sign3A_149 = arith.constant 0 : i32
        %sign3A_150 = arith.cmpi slt, %jit3A, %sign3A_149 : i32
        %sign3A_151 = arith.extui %sign3A_150 : i1 to i32
        %sign3A_152 = arith.subi %sign3A_148, %sign3A_151 : i32
        %ne3A = arith.cmpi ne, %sign3A_145, %sign3A_152 : i32
        %rem3A = arith.remsi %scan3A_138, %jit3A : i32
        %ne3A_153 = arith.constant 0 : i32
        %ne3A_154 = arith.cmpi ne, %rem3A, %ne3A_153 : i32
        %and3A = arith.andi %ne3A, %ne3A_154 : i1
        %sub3A = arith.constant 1 : i32
        %sub3A_155 = arith.subi %div3A, %sub3A : i32
        %select_n3A = arith.select %and3A, %sub3A_155, %div3A : i32
        %jit3A_156 = arith.constant 8 : i32
        %eq3A_157 = arith.constant 0 : i32
        %eq3A_158 = arith.cmpi eq, %jit3A_156, %eq3A_157 : i32
        %jit3A_159 = arith.constant 1 : i32
        %select_n3A_160 = arith.select %eq3A_158, %jit3A_159, %jit3A_156 : i32
        %rem3A_161 = arith.remsi %scan3A_138, %select_n3A_160 : i32
        %ne3A_162 = arith.constant 0 : i32
        %ne3A_163 = arith.cmpi ne, %rem3A_161, %ne3A_162 : i32
        %lt3A_164 = arith.constant 0 : i32
        %lt3A_165 = arith.cmpi slt, %rem3A_161, %lt3A_164 : i32
        %lt3A_166 = arith.constant 0 : i32
        %lt3A_167 = arith.cmpi slt, %select_n3A_160, %lt3A_166 : i32
        %ne3A_168 = arith.xori %lt3A_165, %lt3A_167 : i1
        %and3A_169 = arith.andi %ne3A_168, %ne3A_163 : i1
        %add3A_170 = arith.addi %rem3A_161, %select_n3A_160 : i32
        %select_n3A_171 = arith.select %and3A_169, %add3A_170, %rem3A_161 : i32
        %mul3A_172 = arith.constant 16 : i32
        %mul3A_173 = arith.muli %select_n3A_171, %mul3A_172 : i32
        %broadcast_in_dim3A = arith.constant 0.000000e+00 : f32
        %broadcast_in_dim3A_174 = vector.broadcast %broadcast_in_dim3A : f32 to vector<16xf32>
        %swap3A = arith.index_cast %select_n3A : i32 to index
        %swap3A_175 = arith.index_cast %mul3A_173 : i32 to index
        %swap3A_176 = tpu.vector_load %arg9[%swap3A, %swap3A_175] {strides = array<i32>} : memref<128x128xf32, #tpu.memory_space<vmem>>, vector<1x16xf32>,
        %swap3A_177 = vector.shape_cast %swap3A_176 : vector<1x16xf32> to vector<16xf32>
        %swap3A_178 = vector.shape_cast %broadcast_in_dim3A_174 : vector<16xf32> to vector<1x16xf32>
        tpu.vector_store %arg9[%swap3A, %swap3A_175], %swap3A_178 {strides = array<i32>} : memref<128x128xf32, #tpu.memory_space<vmem>>, vector<1x16xf32>,
        %scan3A_179 = arith.constant 0 : i32
        scf.yield %scan3A_179 : i32
      }
      %scan3A_106 = arith.constant 384 : i32
      %add3A_107 = arith.constant 0 : i32
      %add3A_108 = arith.addi %mul3A_35, %add3A_107 : i32
      "tpu.region"() ({
        %run_scoped3A = tpu.sem_alloc : memref<!tpu.dma_semaphore, #tpu.memory_space<semaphore_mem>>
        %dma_start3A_138 = arith.constant 0 : i32
        %dma_start3A_139 = arith.constant 0 : i32
        %dma_start3A_140 = tpu.memref_slice %arg9[%dma_start3A_138, %dma_start3A_139] : memref<128x128xf32, #tpu.memory_space<vmem>> -> memref<48x128xf32, #tpu.memory_space<vmem>>
        %dma_start3A_141 = arith.constant 0 : i32
        %dma_start3A_142 = tpu.memref_slice %arg11[%add3A_108, %dma_start3A_141] : memref<10000x128xf32, #tpu.memory_space<vmem_shared>> -> memref<48x128xf32, #tpu.memory_space<vmem_shared>>
        %dma_start3A_143 = arith.constant 0 : i32
        %dma_start3A_144 = tpu.memref_slice %arg11[%add3A_108, %dma_start3A_143] : memref<10000x128xf32, #tpu.memory_space<vmem_shared>> -> memref<48x128xf32, #tpu.memory_space<vmem_shared>>
        %dma_start3A_145 = arith.constant 0 : i32
        %dma_start3A_146 = arith.constant 0 : i32
        %dma_start3A_147 = tpu.memref_slice %arg9[%dma_start3A_145, %dma_start3A_146] : memref<128x128xf32, #tpu.memory_space<vmem>> -> memref<48x128xf32, #tpu.memory_space<vmem>>
        tpu.enqueue_dma source(%dma_start3A_147 : memref<48x128xf32, #tpu.memory_space<vmem>>) target(%dma_start3A_144 : memref<48x128xf32, #tpu.memory_space<vmem_shared>>) target_semaphore(%run_scoped3A : memref<!tpu.dma_semaphore, #tpu.memory_space<semaphore_mem>>)
        %dma_wait3A_148 = arith.constant 0 : i32
        %dma_wait3A_149 = arith.constant 0 : i32
        %dma_wait3A_150 = tpu.memref_slice %arg9[%dma_wait3A_148, %dma_wait3A_149] : memref<128x128xf32, #tpu.memory_space<vmem>> -> memref<48x128xf32, #tpu.memory_space<vmem>>
        %dma_wait3A_151 = arith.constant 0 : i32
        %dma_wait3A_152 = tpu.memref_slice %arg11[%add3A_108, %dma_wait3A_151] : memref<10000x128xf32, #tpu.memory_space<vmem_shared>> -> memref<48x128xf32, #tpu.memory_space<vmem_shared>>
        %dma_wait3A_153 = arith.constant 0 : i32
        %dma_wait3A_154 = tpu.memref_slice %arg11[%add3A_108, %dma_wait3A_153] : memref<10000x128xf32, #tpu.memory_space<vmem_shared>> -> memref<48x128xf32, #tpu.memory_space<vmem_shared>>
        %dma_wait3A_155 = arith.constant 0 : i32
        %dma_wait3A_156 = arith.constant 0 : i32
        %dma_wait3A_157 = tpu.memref_slice %arg9[%dma_wait3A_155, %dma_wait3A_156] : memref<128x128xf32, #tpu.memory_space<vmem>> -> memref<48x128xf32, #tpu.memory_space<vmem>>
        tpu.wait_dma2 semaphore(%run_scoped3A : memref<!tpu.dma_semaphore, #tpu.memory_space<semaphore_mem>>) src(%dma_wait3A_157 : memref<48x128xf32, #tpu.memory_space<vmem>>) dst(%dma_wait3A_154 : memref<48x128xf32, #tpu.memory_space<vmem_shared>>)
        tpu.yield
      }) : () -> ()
      %add3A_109 = arith.constant 48 : i32
      %add3A_110 = arith.addi %mul3A_35, %add3A_109 : i32
      "tpu.region"() ({
        %run_scoped3A = tpu.sem_alloc : memref<!tpu.dma_semaphore, #tpu.memory_space<semaphore_mem>>
        %dma_start3A_138 = arith.constant 0 : i32
        %dma_start3A_139 = arith.constant 0 : i32
        %dma_start3A_140 = tpu.memref_slice %arg9[%dma_start3A_138, %dma_start3A_139] : memref<128x128xf32, #tpu.memory_space<vmem>> -> memref<48x128xf32, #tpu.memory_space<vmem>>
        %dma_start3A_141 = arith.constant 0 : i32
        %dma_start3A_142 = tpu.memref_slice %arg11[%add3A_110, %dma_start3A_141] : memref<10000x128xf32, #tpu.memory_space<vmem_shared>> -> memref<48x128xf32, #tpu.memory_space<vmem_shared>>
        %dma_start3A_143 = arith.constant 0 : i32
        %dma_start3A_144 = tpu.memref_slice %arg11[%add3A_110, %dma_start3A_143] : memref<10000x128xf32, #tpu.memory_space<vmem_shared>> -> memref<48x128xf32, #tpu.memory_space<vmem_shared>>
        %dma_start3A_145 = arith.constant 0 : i32
        %dma_start3A_146 = arith.constant 0 : i32
        %dma_start3A_147 = tpu.memref_slice %arg9[%dma_start3A_145, %dma_start3A_146] : memref<128x128xf32, #tpu.memory_space<vmem>> -> memref<48x128xf32, #tpu.memory_space<vmem>>
        tpu.enqueue_dma source(%dma_start3A_147 : memref<48x128xf32, #tpu.memory_space<vmem>>) target(%dma_start3A_144 : memref<48x128xf32, #tpu.memory_space<vmem_shared>>) target_semaphore(%run_scoped3A : memref<!tpu.dma_semaphore, #tpu.memory_space<semaphore_mem>>)
        %dma_wait3A_148 = arith.constant 0 : i32
        %dma_wait3A_149 = arith.constant 0 : i32
        %dma_wait3A_150 = tpu.memref_slice %arg9[%dma_wait3A_148, %dma_wait3A_149] : memref<128x128xf32, #tpu.memory_space<vmem>> -> memref<48x128xf32, #tpu.memory_space<vmem>>
        %dma_wait3A_151 = arith.constant 0 : i32
        %dma_wait3A_152 = tpu.memref_slice %arg11[%add3A_110, %dma_wait3A_151] : memref<10000x128xf32, #tpu.memory_space<vmem_shared>> -> memref<48x128xf32, #tpu.memory_space<vmem_shared>>
        %dma_wait3A_153 = arith.constant 0 : i32
        %dma_wait3A_154 = tpu.memref_slice %arg11[%add3A_110, %dma_wait3A_153] : memref<10000x128xf32, #tpu.memory_space<vmem_shared>> -> memref<48x128xf32, #tpu.memory_space<vmem_shared>>
        %dma_wait3A_155 = arith.constant 0 : i32
        %dma_wait3A_156 = arith.constant 0 : i32
        %dma_wait3A_157 = tpu.memref_slice %arg9[%dma_wait3A_155, %dma_wait3A_156] : memref<128x128xf32, #tpu.memory_space<vmem>> -> memref<48x128xf32, #tpu.memory_space<vmem>>
        tpu.wait_dma2 semaphore(%run_scoped3A : memref<!tpu.dma_semaphore, #tpu.memory_space<semaphore_mem>>) src(%dma_wait3A_157 : memref<48x128xf32, #tpu.memory_space<vmem>>) dst(%dma_wait3A_154 : memref<48x128xf32, #tpu.memory_space<vmem_shared>>)
        tpu.yield
      }) : () -> ()
      %add3A_111 = arith.constant 96 : i32
      %add3A_112 = arith.addi %mul3A_35, %add3A_111 : i32
      "tpu.region"() ({
        %run_scoped3A = tpu.sem_alloc : memref<!tpu.dma_semaphore, #tpu.memory_space<semaphore_mem>>
        %dma_start3A_138 = arith.constant 0 : i32
        %dma_start3A_139 = arith.constant 0 : i32
        %dma_start3A_140 = tpu.memref_slice %arg9[%dma_start3A_138, %dma_start3A_139] : memref<128x128xf32, #tpu.memory_space<vmem>> -> memref<48x128xf32, #tpu.memory_space<vmem>>
        %dma_start3A_141 = arith.constant 0 : i32
        %dma_start3A_142 = tpu.memref_slice %arg11[%add3A_112, %dma_start3A_141] : memref<10000x128xf32, #tpu.memory_space<vmem_shared>> -> memref<48x128xf32, #tpu.memory_space<vmem_shared>>
        %dma_start3A_143 = arith.constant 0 : i32
        %dma_start3A_144 = tpu.memref_slice %arg11[%add3A_112, %dma_start3A_143] : memref<10000x128xf32, #tpu.memory_space<vmem_shared>> -> memref<48x128xf32, #tpu.memory_space<vmem_shared>>
        %dma_start3A_145 = arith.constant 0 : i32
        %dma_start3A_146 = arith.constant 0 : i32
        %dma_start3A_147 = tpu.memref_slice %arg9[%dma_start3A_145, %dma_start3A_146] : memref<128x128xf32, #tpu.memory_space<vmem>> -> memref<48x128xf32, #tpu.memory_space<vmem>>
        tpu.enqueue_dma source(%dma_start3A_147 : memref<48x128xf32, #tpu.memory_space<vmem>>) target(%dma_start3A_144 : memref<48x128xf32, #tpu.memory_space<vmem_shared>>) target_semaphore(%run_scoped3A : memref<!tpu.dma_semaphore, #tpu.memory_space<semaphore_mem>>)
        %dma_wait3A_148 = arith.constant 0 : i32
        %dma_wait3A_149 = arith.constant 0 : i32
        %dma_wait3A_150 = tpu.memref_slice %arg9[%dma_wait3A_148, %dma_wait3A_149] : memref<128x128xf32, #tpu.memory_space<vmem>> -> memref<48x128xf32, #tpu.memory_space<vmem>>
        %dma_wait3A_151 = arith.constant 0 : i32
        %dma_wait3A_152 = tpu.memref_slice %arg11[%add3A_112, %dma_wait3A_151] : memref<10000x128xf32, #tpu.memory_space<vmem_shared>> -> memref<48x128xf32, #tpu.memory_space<vmem_shared>>
        %dma_wait3A_153 = arith.constant 0 : i32
        %dma_wait3A_154 = tpu.memref_slice %arg11[%add3A_112, %dma_wait3A_153] : memref<10000x128xf32, #tpu.memory_space<vmem_shared>> -> memref<48x128xf32, #tpu.memory_space<vmem_shared>>
        %dma_wait3A_155 = arith.constant 0 : i32
        %dma_wait3A_156 = arith.constant 0 : i32
        %dma_wait3A_157 = tpu.memref_slice %arg9[%dma_wait3A_155, %dma_wait3A_156] : memref<128x128xf32, #tpu.memory_space<vmem>> -> memref<48x128xf32, #tpu.memory_space<vmem>>
        tpu.wait_dma2 semaphore(%run_scoped3A : memref<!tpu.dma_semaphore, #tpu.memory_space<semaphore_mem>>) src(%dma_wait3A_157 : memref<48x128xf32, #tpu.memory_space<vmem>>) dst(%dma_wait3A_154 : memref<48x128xf32, #tpu.memory_space<vmem_shared>>)
        tpu.yield
      }) : () -> ()
      %add3A_113 = arith.constant 144 : i32
      %add3A_114 = arith.addi %mul3A_35, %add3A_113 : i32
      "tpu.region"() ({
        %run_scoped3A = tpu.sem_alloc : memref<!tpu.dma_semaphore, #tpu.memory_space<semaphore_mem>>
        %dma_start3A_138 = arith.constant 0 : i32
        %dma_start3A_139 = arith.constant 0 : i32
        %dma_start3A_140 = tpu.memref_slice %arg9[%dma_start3A_138, %dma_start3A_139] : memref<128x128xf32, #tpu.memory_space<vmem>> -> memref<48x128xf32, #tpu.memory_space<vmem>>
        %dma_start3A_141 = arith.constant 0 : i32
        %dma_start3A_142 = tpu.memref_slice %arg11[%add3A_114, %dma_start3A_141] : memref<10000x128xf32, #tpu.memory_space<vmem_shared>> -> memref<48x128xf32, #tpu.memory_space<vmem_shared>>
        %dma_start3A_143 = arith.constant 0 : i32
        %dma_start3A_144 = tpu.memref_slice %arg11[%add3A_114, %dma_start3A_143] : memref<10000x128xf32, #tpu.memory_space<vmem_shared>> -> memref<48x128xf32, #tpu.memory_space<vmem_shared>>
        %dma_start3A_145 = arith.constant 0 : i32
        %dma_start3A_146 = arith.constant 0 : i32
        %dma_start3A_147 = tpu.memref_slice %arg9[%dma_start3A_145, %dma_start3A_146] : memref<128x128xf32, #tpu.memory_space<vmem>> -> memref<48x128xf32, #tpu.memory_space<vmem>>
        tpu.enqueue_dma source(%dma_start3A_147 : memref<48x128xf32, #tpu.memory_space<vmem>>) target(%dma_start3A_144 : memref<48x128xf32, #tpu.memory_space<vmem_shared>>) target_semaphore(%run_scoped3A : memref<!tpu.dma_semaphore, #tpu.memory_space<semaphore_mem>>)
        %dma_wait3A_148 = arith.constant 0 : i32
        %dma_wait3A_149 = arith.constant 0 : i32
        %dma_wait3A_150 = tpu.memref_slice %arg9[%dma_wait3A_148, %dma_wait3A_149] : memref<128x128xf32, #tpu.memory_space<vmem>> -> memref<48x128xf32, #tpu.memory_space<vmem>>
        %dma_wait3A_151 = arith.constant 0 : i32
        %dma_wait3A_152 = tpu.memref_slice %arg11[%add3A_114, %dma_wait3A_151] : memref<10000x128xf32, #tpu.memory_space<vmem_shared>> -> memref<48x128xf32, #tpu.memory_space<vmem_shared>>
        %dma_wait3A_153 = arith.constant 0 : i32
        %dma_wait3A_154 = tpu.memref_slice %arg11[%add3A_114, %dma_wait3A_153] : memref<10000x128xf32, #tpu.memory_space<vmem_shared>> -> memref<48x128xf32, #tpu.memory_space<vmem_shared>>
        %dma_wait3A_155 = arith.constant 0 : i32
        %dma_wait3A_156 = arith.constant 0 : i32
        %dma_wait3A_157 = tpu.memref_slice %arg9[%dma_wait3A_155, %dma_wait3A_156] : memref<128x128xf32, #tpu.memory_space<vmem>> -> memref<48x128xf32, #tpu.memory_space<vmem>>
        tpu.wait_dma2 semaphore(%run_scoped3A : memref<!tpu.dma_semaphore, #tpu.memory_space<semaphore_mem>>) src(%dma_wait3A_157 : memref<48x128xf32, #tpu.memory_space<vmem>>) dst(%dma_wait3A_154 : memref<48x128xf32, #tpu.memory_space<vmem_shared>>)
        tpu.yield
      }) : () -> ()
      %add3A_115 = arith.constant 192 : i32
      %add3A_116 = arith.addi %mul3A_35, %add3A_115 : i32
      "tpu.region"() ({
        %run_scoped3A = tpu.sem_alloc : memref<!tpu.dma_semaphore, #tpu.memory_space<semaphore_mem>>
        %dma_start3A_138 = arith.constant 0 : i32
        %dma_start3A_139 = arith.constant 0 : i32
        %dma_start3A_140 = tpu.memref_slice %arg9[%dma_start3A_138, %dma_start3A_139] : memref<128x128xf32, #tpu.memory_space<vmem>> -> memref<48x128xf32, #tpu.memory_space<vmem>>
        %dma_start3A_141 = arith.constant 0 : i32
        %dma_start3A_142 = tpu.memref_slice %arg11[%add3A_116, %dma_start3A_141] : memref<10000x128xf32, #tpu.memory_space<vmem_shared>> -> memref<48x128xf32, #tpu.memory_space<vmem_shared>>
        %dma_start3A_143 = arith.constant 0 : i32
        %dma_start3A_144 = tpu.memref_slice %arg11[%add3A_116, %dma_start3A_143] : memref<10000x128xf32, #tpu.memory_space<vmem_shared>> -> memref<48x128xf32, #tpu.memory_space<vmem_shared>>
        %dma_start3A_145 = arith.constant 0 : i32
        %dma_start3A_146 = arith.constant 0 : i32
        %dma_start3A_147 = tpu.memref_slice %arg9[%dma_start3A_145, %dma_start3A_146] : memref<128x128xf32, #tpu.memory_space<vmem>> -> memref<48x128xf32, #tpu.memory_space<vmem>>
        tpu.enqueue_dma source(%dma_start3A_147 : memref<48x128xf32, #tpu.memory_space<vmem>>) target(%dma_start3A_144 : memref<48x128xf32, #tpu.memory_space<vmem_shared>>) target_semaphore(%run_scoped3A : memref<!tpu.dma_semaphore, #tpu.memory_space<semaphore_mem>>)
        %dma_wait3A_148 = arith.constant 0 : i32
        %dma_wait3A_149 = arith.constant 0 : i32
        %dma_wait3A_150 = tpu.memref_slice %arg9[%dma_wait3A_148, %dma_wait3A_149] : memref<128x128xf32, #tpu.memory_space<vmem>> -> memref<48x128xf32, #tpu.memory_space<vmem>>
        %dma_wait3A_151 = arith.constant 0 : i32
        %dma_wait3A_152 = tpu.memref_slice %arg11[%add3A_116, %dma_wait3A_151] : memref<10000x128xf32, #tpu.memory_space<vmem_shared>> -> memref<48x128xf32, #tpu.memory_space<vmem_shared>>
        %dma_wait3A_153 = arith.constant 0 : i32
        %dma_wait3A_154 = tpu.memref_slice %arg11[%add3A_116, %dma_wait3A_153] : memref<10000x128xf32, #tpu.memory_space<vmem_shared>> -> memref<48x128xf32, #tpu.memory_space<vmem_shared>>
        %dma_wait3A_155 = arith.constant 0 : i32
        %dma_wait3A_156 = arith.constant 0 : i32
        %dma_wait3A_157 = tpu.memref_slice %arg9[%dma_wait3A_155, %dma_wait3A_156] : memref<128x128xf32, #tpu.memory_space<vmem>> -> memref<48x128xf32, #tpu.memory_space<vmem>>
        tpu.wait_dma2 semaphore(%run_scoped3A : memref<!tpu.dma_semaphore, #tpu.memory_space<semaphore_mem>>) src(%dma_wait3A_157 : memref<48x128xf32, #tpu.memory_space<vmem>>) dst(%dma_wait3A_154 : memref<48x128xf32, #tpu.memory_space<vmem_shared>>)
        tpu.yield
      }) : () -> ()
      %add3A_117 = arith.constant 240 : i32
      %add3A_118 = arith.addi %mul3A_35, %add3A_117 : i32
      "tpu.region"() ({
        %run_scoped3A = tpu.sem_alloc : memref<!tpu.dma_semaphore, #tpu.memory_space<semaphore_mem>>
        %dma_start3A_138 = arith.constant 0 : i32
        %dma_start3A_139 = arith.constant 0 : i32
        %dma_start3A_140 = tpu.memref_slice %arg9[%dma_start3A_138, %dma_start3A_139] : memref<128x128xf32, #tpu.memory_space<vmem>> -> memref<48x128xf32, #tpu.memory_space<vmem>>
        %dma_start3A_141 = arith.constant 0 : i32
        %dma_start3A_142 = tpu.memref_slice %arg11[%add3A_118, %dma_start3A_141] : memref<10000x128xf32, #tpu.memory_space<vmem_shared>> -> memref<48x128xf32, #tpu.memory_space<vmem_shared>>
        %dma_start3A_143 = arith.constant 0 : i32
        %dma_start3A_144 = tpu.memref_slice %arg11[%add3A_118, %dma_start3A_143] : memref<10000x128xf32, #tpu.memory_space<vmem_shared>> -> memref<48x128xf32, #tpu.memory_space<vmem_shared>>
        %dma_start3A_145 = arith.constant 0 : i32
        %dma_start3A_146 = arith.constant 0 : i32
        %dma_start3A_147 = tpu.memref_slice %arg9[%dma_start3A_145, %dma_start3A_146] : memref<128x128xf32, #tpu.memory_space<vmem>> -> memref<48x128xf32, #tpu.memory_space<vmem>>
        tpu.enqueue_dma source(%dma_start3A_147 : memref<48x128xf32, #tpu.memory_space<vmem>>) target(%dma_start3A_144 : memref<48x128xf32, #tpu.memory_space<vmem_shared>>) target_semaphore(%run_scoped3A : memref<!tpu.dma_semaphore, #tpu.memory_space<semaphore_mem>>)
        %dma_wait3A_148 = arith.constant 0 : i32
        %dma_wait3A_149 = arith.constant 0 : i32
        %dma_wait3A_150 = tpu.memref_slice %arg9[%dma_wait3A_148, %dma_wait3A_149] : memref<128x128xf32, #tpu.memory_space<vmem>> -> memref<48x128xf32, #tpu.memory_space<vmem>>
        %dma_wait3A_151 = arith.constant 0 : i32
        %dma_wait3A_152 = tpu.memref_slice %arg11[%add3A_118, %dma_wait3A_151] : memref<10000x128xf32, #tpu.memory_space<vmem_shared>> -> memref<48x128xf32, #tpu.memory_space<vmem_shared>>
        %dma_wait3A_153 = arith.constant 0 : i32
        %dma_wait3A_154 = tpu.memref_slice %arg11[%add3A_118, %dma_wait3A_153] : memref<10000x128xf32, #tpu.memory_space<vmem_shared>> -> memref<48x128xf32, #tpu.memory_space<vmem_shared>>
        %dma_wait3A_155 = arith.constant 0 : i32
        %dma_wait3A_156 = arith.constant 0 : i32
        %dma_wait3A_157 = tpu.memref_slice %arg9[%dma_wait3A_155, %dma_wait3A_156] : memref<128x128xf32, #tpu.memory_space<vmem>> -> memref<48x128xf32, #tpu.memory_space<vmem>>
        tpu.wait_dma2 semaphore(%run_scoped3A : memref<!tpu.dma_semaphore, #tpu.memory_space<semaphore_mem>>) src(%dma_wait3A_157 : memref<48x128xf32, #tpu.memory_space<vmem>>) dst(%dma_wait3A_154 : memref<48x128xf32, #tpu.memory_space<vmem_shared>>)
        tpu.yield
      }) : () -> ()
      %add3A_119 = arith.constant 288 : i32
      %add3A_120 = arith.addi %mul3A_35, %add3A_119 : i32
      "tpu.region"() ({
        %run_scoped3A = tpu.sem_alloc : memref<!tpu.dma_semaphore, #tpu.memory_space<semaphore_mem>>
        %dma_start3A_138 = arith.constant 0 : i32
        %dma_start3A_139 = arith.constant 0 : i32
        %dma_start3A_140 = tpu.memref_slice %arg9[%dma_start3A_138, %dma_start3A_139] : memref<128x128xf32, #tpu.memory_space<vmem>> -> memref<48x128xf32, #tpu.memory_space<vmem>>
        %dma_start3A_141 = arith.constant 0 : i32
        %dma_start3A_142 = tpu.memref_slice %arg11[%add3A_120, %dma_start3A_141] : memref<10000x128xf32, #tpu.memory_space<vmem_shared>> -> memref<48x128xf32, #tpu.memory_space<vmem_shared>>
        %dma_start3A_143 = arith.constant 0 : i32
        %dma_start3A_144 = tpu.memref_slice %arg11[%add3A_120, %dma_start3A_143] : memref<10000x128xf32, #tpu.memory_space<vmem_shared>> -> memref<48x128xf32, #tpu.memory_space<vmem_shared>>
        %dma_start3A_145 = arith.constant 0 : i32
        %dma_start3A_146 = arith.constant 0 : i32
        %dma_start3A_147 = tpu.memref_slice %arg9[%dma_start3A_145, %dma_start3A_146] : memref<128x128xf32, #tpu.memory_space<vmem>> -> memref<48x128xf32, #tpu.memory_space<vmem>>
        tpu.enqueue_dma source(%dma_start3A_147 : memref<48x128xf32, #tpu.memory_space<vmem>>) target(%dma_start3A_144 : memref<48x128xf32, #tpu.memory_space<vmem_shared>>) target_semaphore(%run_scoped3A : memref<!tpu.dma_semaphore, #tpu.memory_space<semaphore_mem>>)
        %dma_wait3A_148 = arith.constant 0 : i32
        %dma_wait3A_149 = arith.constant 0 : i32
        %dma_wait3A_150 = tpu.memref_slice %arg9[%dma_wait3A_148, %dma_wait3A_149] : memref<128x128xf32, #tpu.memory_space<vmem>> -> memref<48x128xf32, #tpu.memory_space<vmem>>
        %dma_wait3A_151 = arith.constant 0 : i32
        %dma_wait3A_152 = tpu.memref_slice %arg11[%add3A_120, %dma_wait3A_151] : memref<10000x128xf32, #tpu.memory_space<vmem_shared>> -> memref<48x128xf32, #tpu.memory_space<vmem_shared>>
        %dma_wait3A_153 = arith.constant 0 : i32
        %dma_wait3A_154 = tpu.memref_slice %arg11[%add3A_120, %dma_wait3A_153] : memref<10000x128xf32, #tpu.memory_space<vmem_shared>> -> memref<48x128xf32, #tpu.memory_space<vmem_shared>>
        %dma_wait3A_155 = arith.constant 0 : i32
        %dma_wait3A_156 = arith.constant 0 : i32
        %dma_wait3A_157 = tpu.memref_slice %arg9[%dma_wait3A_155, %dma_wait3A_156] : memref<128x128xf32, #tpu.memory_space<vmem>> -> memref<48x128xf32, #tpu.memory_space<vmem>>
        tpu.wait_dma2 semaphore(%run_scoped3A : memref<!tpu.dma_semaphore, #tpu.memory_space<semaphore_mem>>) src(%dma_wait3A_157 : memref<48x128xf32, #tpu.memory_space<vmem>>) dst(%dma_wait3A_154 : memref<48x128xf32, #tpu.memory_space<vmem_shared>>)
        tpu.yield
      }) : () -> ()
      %add3A_121 = arith.constant 336 : i32
      %add3A_122 = arith.addi %mul3A_35, %add3A_121 : i32
      "tpu.region"() ({
        %run_scoped3A = tpu.sem_alloc : memref<!tpu.dma_semaphore, #tpu.memory_space<semaphore_mem>>
        %dma_start3A_138 = arith.constant 0 : i32
        %dma_start3A_139 = arith.constant 0 : i32
        %dma_start3A_140 = tpu.memref_slice %arg9[%dma_start3A_138, %dma_start3A_139] : memref<128x128xf32, #tpu.memory_space<vmem>> -> memref<48x128xf32, #tpu.memory_space<vmem>>
        %dma_start3A_141 = arith.constant 0 : i32
        %dma_start3A_142 = tpu.memref_slice %arg11[%add3A_122, %dma_start3A_141] : memref<10000x128xf32, #tpu.memory_space<vmem_shared>> -> memref<48x128xf32, #tpu.memory_space<vmem_shared>>
        %dma_start3A_143 = arith.constant 0 : i32
        %dma_start3A_144 = tpu.memref_slice %arg11[%add3A_122, %dma_start3A_143] : memref<10000x128xf32, #tpu.memory_space<vmem_shared>> -> memref<48x128xf32, #tpu.memory_space<vmem_shared>>
        %dma_start3A_145 = arith.constant 0 : i32
        %dma_start3A_146 = arith.constant 0 : i32
        %dma_start3A_147 = tpu.memref_slice %arg9[%dma_start3A_145, %dma_start3A_146] : memref<128x128xf32, #tpu.memory_space<vmem>> -> memref<48x128xf32, #tpu.memory_space<vmem>>
        tpu.enqueue_dma source(%dma_start3A_147 : memref<48x128xf32, #tpu.memory_space<vmem>>) target(%dma_start3A_144 : memref<48x128xf32, #tpu.memory_space<vmem_shared>>) target_semaphore(%run_scoped3A : memref<!tpu.dma_semaphore, #tpu.memory_space<semaphore_mem>>)
        %dma_wait3A_148 = arith.constant 0 : i32
        %dma_wait3A_149 = arith.constant 0 : i32
        %dma_wait3A_150 = tpu.memref_slice %arg9[%dma_wait3A_148, %dma_wait3A_149] : memref<128x128xf32, #tpu.memory_space<vmem>> -> memref<48x128xf32, #tpu.memory_space<vmem>>
        %dma_wait3A_151 = arith.constant 0 : i32
        %dma_wait3A_152 = tpu.memref_slice %arg11[%add3A_122, %dma_wait3A_151] : memref<10000x128xf32, #tpu.memory_space<vmem_shared>> -> memref<48x128xf32, #tpu.memory_space<vmem_shared>>
        %dma_wait3A_153 = arith.constant 0 : i32
        %dma_wait3A_154 = tpu.memref_slice %arg11[%add3A_122, %dma_wait3A_153] : memref<10000x128xf32, #tpu.memory_space<vmem_shared>> -> memref<48x128xf32, #tpu.memory_space<vmem_shared>>
        %dma_wait3A_155 = arith.constant 0 : i32
        %dma_wait3A_156 = arith.constant 0 : i32
        %dma_wait3A_157 = tpu.memref_slice %arg9[%dma_wait3A_155, %dma_wait3A_156] : memref<128x128xf32, #tpu.memory_space<vmem>> -> memref<48x128xf32, #tpu.memory_space<vmem>>
        tpu.wait_dma2 semaphore(%run_scoped3A : memref<!tpu.dma_semaphore, #tpu.memory_space<semaphore_mem>>) src(%dma_wait3A_157 : memref<48x128xf32, #tpu.memory_space<vmem>>) dst(%dma_wait3A_154 : memref<48x128xf32, #tpu.memory_space<vmem_shared>>)
        tpu.yield
      }) : () -> ()
      %add3A_123 = arith.constant 384 : i32
      %add3A_124 = arith.addi %mul3A_35, %add3A_123 : i32
      "tpu.region"() ({
        %run_scoped3A = tpu.sem_alloc : memref<!tpu.dma_semaphore, #tpu.memory_space<semaphore_mem>>
        %dma_start3A_138 = arith.constant 0 : i32
        %dma_start3A_139 = arith.constant 0 : i32
        %dma_start3A_140 = tpu.memref_slice %arg9[%dma_start3A_138, %dma_start3A_139] : memref<128x128xf32, #tpu.memory_space<vmem>> -> memref<48x128xf32, #tpu.memory_space<vmem>>
        %dma_start3A_141 = arith.constant 0 : i32
        %dma_start3A_142 = tpu.memref_slice %arg11[%add3A_124, %dma_start3A_141] : memref<10000x128xf32, #tpu.memory_space<vmem_shared>> -> memref<48x128xf32, #tpu.memory_space<vmem_shared>>
        %dma_start3A_143 = arith.constant 0 : i32
        %dma_start3A_144 = tpu.memref_slice %arg11[%add3A_124, %dma_start3A_143] : memref<10000x128xf32, #tpu.memory_space<vmem_shared>> -> memref<48x128xf32, #tpu.memory_space<vmem_shared>>
        %dma_start3A_145 = arith.constant 0 : i32
        %dma_start3A_146 = arith.constant 0 : i32
        %dma_start3A_147 = tpu.memref_slice %arg9[%dma_start3A_145, %dma_start3A_146] : memref<128x128xf32, #tpu.memory_space<vmem>> -> memref<48x128xf32, #tpu.memory_space<vmem>>
        tpu.enqueue_dma source(%dma_start3A_147 : memref<48x128xf32, #tpu.memory_space<vmem>>) target(%dma_start3A_144 : memref<48x128xf32, #tpu.memory_space<vmem_shared>>) target_semaphore(%run_scoped3A : memref<!tpu.dma_semaphore, #tpu.memory_space<semaphore_mem>>)
        %dma_wait3A_148 = arith.constant 0 : i32
        %dma_wait3A_149 = arith.constant 0 : i32
        %dma_wait3A_150 = tpu.memref_slice %arg9[%dma_wait3A_148, %dma_wait3A_149] : memref<128x128xf32, #tpu.memory_space<vmem>> -> memref<48x128xf32, #tpu.memory_space<vmem>>
        %dma_wait3A_151 = arith.constant 0 : i32
        %dma_wait3A_152 = tpu.memref_slice %arg11[%add3A_124, %dma_wait3A_151] : memref<10000x128xf32, #tpu.memory_space<vmem_shared>> -> memref<48x128xf32, #tpu.memory_space<vmem_shared>>
        %dma_wait3A_153 = arith.constant 0 : i32
        %dma_wait3A_154 = tpu.memref_slice %arg11[%add3A_124, %dma_wait3A_153] : memref<10000x128xf32, #tpu.memory_space<vmem_shared>> -> memref<48x128xf32, #tpu.memory_space<vmem_shared>>
        %dma_wait3A_155 = arith.constant 0 : i32
        %dma_wait3A_156 = arith.constant 0 : i32
        %dma_wait3A_157 = tpu.memref_slice %arg9[%dma_wait3A_155, %dma_wait3A_156] : memref<128x128xf32, #tpu.memory_space<vmem>> -> memref<48x128xf32, #tpu.memory_space<vmem>>
        tpu.wait_dma2 semaphore(%run_scoped3A : memref<!tpu.dma_semaphore, #tpu.memory_space<semaphore_mem>>) src(%dma_wait3A_157 : memref<48x128xf32, #tpu.memory_space<vmem>>) dst(%dma_wait3A_154 : memref<48x128xf32, #tpu.memory_space<vmem_shared>>)
        tpu.yield
      }) : () -> ()
      %add3A_125 = arith.constant 432 : i32
      %add3A_126 = arith.addi %mul3A_35, %add3A_125 : i32
      "tpu.region"() ({
        %run_scoped3A = tpu.sem_alloc : memref<!tpu.dma_semaphore, #tpu.memory_space<semaphore_mem>>
        %dma_start3A_138 = arith.constant 0 : i32
        %dma_start3A_139 = arith.constant 0 : i32
        %dma_start3A_140 = tpu.memref_slice %arg9[%dma_start3A_138, %dma_start3A_139] : memref<128x128xf32, #tpu.memory_space<vmem>> -> memref<48x128xf32, #tpu.memory_space<vmem>>
        %dma_start3A_141 = arith.constant 0 : i32
        %dma_start3A_142 = tpu.memref_slice %arg11[%add3A_126, %dma_start3A_141] : memref<10000x128xf32, #tpu.memory_space<vmem_shared>> -> memref<48x128xf32, #tpu.memory_space<vmem_shared>>
        %dma_start3A_143 = arith.constant 0 : i32
        %dma_start3A_144 = tpu.memref_slice %arg11[%add3A_126, %dma_start3A_143] : memref<10000x128xf32, #tpu.memory_space<vmem_shared>> -> memref<48x128xf32, #tpu.memory_space<vmem_shared>>
        %dma_start3A_145 = arith.constant 0 : i32
        %dma_start3A_146 = arith.constant 0 : i32
        %dma_start3A_147 = tpu.memref_slice %arg9[%dma_start3A_145, %dma_start3A_146] : memref<128x128xf32, #tpu.memory_space<vmem>> -> memref<48x128xf32, #tpu.memory_space<vmem>>
        tpu.enqueue_dma source(%dma_start3A_147 : memref<48x128xf32, #tpu.memory_space<vmem>>) target(%dma_start3A_144 : memref<48x128xf32, #tpu.memory_space<vmem_shared>>) target_semaphore(%run_scoped3A : memref<!tpu.dma_semaphore, #tpu.memory_space<semaphore_mem>>)
        %dma_wait3A_148 = arith.constant 0 : i32
        %dma_wait3A_149 = arith.constant 0 : i32
        %dma_wait3A_150 = tpu.memref_slice %arg9[%dma_wait3A_148, %dma_wait3A_149] : memref<128x128xf32, #tpu.memory_space<vmem>> -> memref<48x128xf32, #tpu.memory_space<vmem>>
        %dma_wait3A_151 = arith.constant 0 : i32
        %dma_wait3A_152 = tpu.memref_slice %arg11[%add3A_126, %dma_wait3A_151] : memref<10000x128xf32, #tpu.memory_space<vmem_shared>> -> memref<48x128xf32, #tpu.memory_space<vmem_shared>>
        %dma_wait3A_153 = arith.constant 0 : i32
        %dma_wait3A_154 = tpu.memref_slice %arg11[%add3A_126, %dma_wait3A_153] : memref<10000x128xf32, #tpu.memory_space<vmem_shared>> -> memref<48x128xf32, #tpu.memory_space<vmem_shared>>
        %dma_wait3A_155 = arith.constant 0 : i32
        %dma_wait3A_156 = arith.constant 0 : i32
        %dma_wait3A_157 = tpu.memref_slice %arg9[%dma_wait3A_155, %dma_wait3A_156] : memref<128x128xf32, #tpu.memory_space<vmem>> -> memref<48x128xf32, #tpu.memory_space<vmem>>
        tpu.wait_dma2 semaphore(%run_scoped3A : memref<!tpu.dma_semaphore, #tpu.memory_space<semaphore_mem>>) src(%dma_wait3A_157 : memref<48x128xf32, #tpu.memory_space<vmem>>) dst(%dma_wait3A_154 : memref<48x128xf32, #tpu.memory_space<vmem_shared>>)
        tpu.yield
      }) : () -> ()
      %add3A_127 = arith.constant 480 : i32
      %add3A_128 = arith.addi %mul3A_35, %add3A_127 : i32
      "tpu.region"() ({
        %run_scoped3A = tpu.sem_alloc : memref<!tpu.dma_semaphore, #tpu.memory_space<semaphore_mem>>
        %dma_start3A_138 = arith.constant 0 : i32
        %dma_start3A_139 = arith.constant 0 : i32
        %dma_start3A_140 = tpu.memref_slice %arg9[%dma_start3A_138, %dma_start3A_139] : memref<128x128xf32, #tpu.memory_space<vmem>> -> memref<48x128xf32, #tpu.memory_space<vmem>>
        %dma_start3A_141 = arith.constant 0 : i32
        %dma_start3A_142 = tpu.memref_slice %arg11[%add3A_128, %dma_start3A_141] : memref<10000x128xf32, #tpu.memory_space<vmem_shared>> -> memref<48x128xf32, #tpu.memory_space<vmem_shared>>
        %dma_start3A_143 = arith.constant 0 : i32
        %dma_start3A_144 = tpu.memref_slice %arg11[%add3A_128, %dma_start3A_143] : memref<10000x128xf32, #tpu.memory_space<vmem_shared>> -> memref<48x128xf32, #tpu.memory_space<vmem_shared>>
        %dma_start3A_145 = arith.constant 0 : i32
        %dma_start3A_146 = arith.constant 0 : i32
        %dma_start3A_147 = tpu.memref_slice %arg9[%dma_start3A_145, %dma_start3A_146] : memref<128x128xf32, #tpu.memory_space<vmem>> -> memref<48x128xf32, #tpu.memory_space<vmem>>
        tpu.enqueue_dma source(%dma_start3A_147 : memref<48x128xf32, #tpu.memory_space<vmem>>) target(%dma_start3A_144 : memref<48x128xf32, #tpu.memory_space<vmem_shared>>) target_semaphore(%run_scoped3A : memref<!tpu.dma_semaphore, #tpu.memory_space<semaphore_mem>>)
        %dma_wait3A_148 = arith.constant 0 : i32
        %dma_wait3A_149 = arith.constant 0 : i32
        %dma_wait3A_150 = tpu.memref_slice %arg9[%dma_wait3A_148, %dma_wait3A_149] : memref<128x128xf32, #tpu.memory_space<vmem>> -> memref<48x128xf32, #tpu.memory_space<vmem>>
        %dma_wait3A_151 = arith.constant 0 : i32
        %dma_wait3A_152 = tpu.memref_slice %arg11[%add3A_128, %dma_wait3A_151] : memref<10000x128xf32, #tpu.memory_space<vmem_shared>> -> memref<48x128xf32, #tpu.memory_space<vmem_shared>>
        %dma_wait3A_153 = arith.constant 0 : i32
        %dma_wait3A_154 = tpu.memref_slice %arg11[%add3A_128, %dma_wait3A_153] : memref<10000x128xf32, #tpu.memory_space<vmem_shared>> -> memref<48x128xf32, #tpu.memory_space<vmem_shared>>
        %dma_wait3A_155 = arith.constant 0 : i32
        %dma_wait3A_156 = arith.constant 0 : i32
        %dma_wait3A_157 = tpu.memref_slice %arg9[%dma_wait3A_155, %dma_wait3A_156] : memref<128x128xf32, #tpu.memory_space<vmem>> -> memref<48x128xf32, #tpu.memory_space<vmem>>
        tpu.wait_dma2 semaphore(%run_scoped3A : memref<!tpu.dma_semaphore, #tpu.memory_space<semaphore_mem>>) src(%dma_wait3A_157 : memref<48x128xf32, #tpu.memory_space<vmem>>) dst(%dma_wait3A_154 : memref<48x128xf32, #tpu.memory_space<vmem_shared>>)
        tpu.yield
      }) : () -> ()
      %add3A_129 = arith.constant 528 : i32
      %add3A_130 = arith.addi %mul3A_35, %add3A_129 : i32
      "tpu.region"() ({
        %run_scoped3A = tpu.sem_alloc : memref<!tpu.dma_semaphore, #tpu.memory_space<semaphore_mem>>
        %dma_start3A_138 = arith.constant 0 : i32
        %dma_start3A_139 = arith.constant 0 : i32
        %dma_start3A_140 = tpu.memref_slice %arg9[%dma_start3A_138, %dma_start3A_139] : memref<128x128xf32, #tpu.memory_space<vmem>> -> memref<48x128xf32, #tpu.memory_space<vmem>>
        %dma_start3A_141 = arith.constant 0 : i32
        %dma_start3A_142 = tpu.memref_slice %arg11[%add3A_130, %dma_start3A_141] : memref<10000x128xf32, #tpu.memory_space<vmem_shared>> -> memref<48x128xf32, #tpu.memory_space<vmem_shared>>
        %dma_start3A_143 = arith.constant 0 : i32
        %dma_start3A_144 = tpu.memref_slice %arg11[%add3A_130, %dma_start3A_143] : memref<10000x128xf32, #tpu.memory_space<vmem_shared>> -> memref<48x128xf32, #tpu.memory_space<vmem_shared>>
        %dma_start3A_145 = arith.constant 0 : i32
        %dma_start3A_146 = arith.constant 0 : i32
        %dma_start3A_147 = tpu.memref_slice %arg9[%dma_start3A_145, %dma_start3A_146] : memref<128x128xf32, #tpu.memory_space<vmem>> -> memref<48x128xf32, #tpu.memory_space<vmem>>
        tpu.enqueue_dma source(%dma_start3A_147 : memref<48x128xf32, #tpu.memory_space<vmem>>) target(%dma_start3A_144 : memref<48x128xf32, #tpu.memory_space<vmem_shared>>) target_semaphore(%run_scoped3A : memref<!tpu.dma_semaphore, #tpu.memory_space<semaphore_mem>>)
        %dma_wait3A_148 = arith.constant 0 : i32
        %dma_wait3A_149 = arith.constant 0 : i32
        %dma_wait3A_150 = tpu.memref_slice %arg9[%dma_wait3A_148, %dma_wait3A_149] : memref<128x128xf32, #tpu.memory_space<vmem>> -> memref<48x128xf32, #tpu.memory_space<vmem>>
        %dma_wait3A_151 = arith.constant 0 : i32
        %dma_wait3A_152 = tpu.memref_slice %arg11[%add3A_130, %dma_wait3A_151] : memref<10000x128xf32, #tpu.memory_space<vmem_shared>> -> memref<48x128xf32, #tpu.memory_space<vmem_shared>>
        %dma_wait3A_153 = arith.constant 0 : i32
        %dma_wait3A_154 = tpu.memref_slice %arg11[%add3A_130, %dma_wait3A_153] : memref<10000x128xf32, #tpu.memory_space<vmem_shared>> -> memref<48x128xf32, #tpu.memory_space<vmem_shared>>
        %dma_wait3A_155 = arith.constant 0 : i32
        %dma_wait3A_156 = arith.constant 0 : i32
        %dma_wait3A_157 = tpu.memref_slice %arg9[%dma_wait3A_155, %dma_wait3A_156] : memref<128x128xf32, #tpu.memory_space<vmem>> -> memref<48x128xf32, #tpu.memory_space<vmem>>
        tpu.wait_dma2 semaphore(%run_scoped3A : memref<!tpu.dma_semaphore, #tpu.memory_space<semaphore_mem>>) src(%dma_wait3A_157 : memref<48x128xf32, #tpu.memory_space<vmem>>) dst(%dma_wait3A_154 : memref<48x128xf32, #tpu.memory_space<vmem_shared>>)
        tpu.yield
      }) : () -> ()
      %add3A_131 = arith.constant 576 : i32
      %add3A_132 = arith.addi %mul3A_35, %add3A_131 : i32
      "tpu.region"() ({
        %run_scoped3A = tpu.sem_alloc : memref<!tpu.dma_semaphore, #tpu.memory_space<semaphore_mem>>
        %dma_start3A_138 = arith.constant 0 : i32
        %dma_start3A_139 = arith.constant 0 : i32
        %dma_start3A_140 = tpu.memref_slice %arg9[%dma_start3A_138, %dma_start3A_139] : memref<128x128xf32, #tpu.memory_space<vmem>> -> memref<48x128xf32, #tpu.memory_space<vmem>>
        %dma_start3A_141 = arith.constant 0 : i32
        %dma_start3A_142 = tpu.memref_slice %arg11[%add3A_132, %dma_start3A_141] : memref<10000x128xf32, #tpu.memory_space<vmem_shared>> -> memref<48x128xf32, #tpu.memory_space<vmem_shared>>
        %dma_start3A_143 = arith.constant 0 : i32
        %dma_start3A_144 = tpu.memref_slice %arg11[%add3A_132, %dma_start3A_143] : memref<10000x128xf32, #tpu.memory_space<vmem_shared>> -> memref<48x128xf32, #tpu.memory_space<vmem_shared>>
        %dma_start3A_145 = arith.constant 0 : i32
        %dma_start3A_146 = arith.constant 0 : i32
        %dma_start3A_147 = tpu.memref_slice %arg9[%dma_start3A_145, %dma_start3A_146] : memref<128x128xf32, #tpu.memory_space<vmem>> -> memref<48x128xf32, #tpu.memory_space<vmem>>
        tpu.enqueue_dma source(%dma_start3A_147 : memref<48x128xf32, #tpu.memory_space<vmem>>) target(%dma_start3A_144 : memref<48x128xf32, #tpu.memory_space<vmem_shared>>) target_semaphore(%run_scoped3A : memref<!tpu.dma_semaphore, #tpu.memory_space<semaphore_mem>>)
        %dma_wait3A_148 = arith.constant 0 : i32
        %dma_wait3A_149 = arith.constant 0 : i32
        %dma_wait3A_150 = tpu.memref_slice %arg9[%dma_wait3A_148, %dma_wait3A_149] : memref<128x128xf32, #tpu.memory_space<vmem>> -> memref<48x128xf32, #tpu.memory_space<vmem>>
        %dma_wait3A_151 = arith.constant 0 : i32
        %dma_wait3A_152 = tpu.memref_slice %arg11[%add3A_132, %dma_wait3A_151] : memref<10000x128xf32, #tpu.memory_space<vmem_shared>> -> memref<48x128xf32, #tpu.memory_space<vmem_shared>>
        %dma_wait3A_153 = arith.constant 0 : i32
        %dma_wait3A_154 = tpu.memref_slice %arg11[%add3A_132, %dma_wait3A_153] : memref<10000x128xf32, #tpu.memory_space<vmem_shared>> -> memref<48x128xf32, #tpu.memory_space<vmem_shared>>
        %dma_wait3A_155 = arith.constant 0 : i32
        %dma_wait3A_156 = arith.constant 0 : i32
        %dma_wait3A_157 = tpu.memref_slice %arg9[%dma_wait3A_155, %dma_wait3A_156] : memref<128x128xf32, #tpu.memory_space<vmem>> -> memref<48x128xf32, #tpu.memory_space<vmem>>
        tpu.wait_dma2 semaphore(%run_scoped3A : memref<!tpu.dma_semaphore, #tpu.memory_space<semaphore_mem>>) src(%dma_wait3A_157 : memref<48x128xf32, #tpu.memory_space<vmem>>) dst(%dma_wait3A_154 : memref<48x128xf32, #tpu.memory_space<vmem_shared>>)
        tpu.yield
      }) : () -> ()
      %eq3A_133 = arith.constant 15 : i32
      %eq3A_134 = arith.cmpi eq, %arg1, %eq3A_133 : i32
      %convert_element_type3A_135 = arith.extui %eq3A_134 : i1 to i32
      %cond3A_136 = arith.constant 0 : i32
      %cond3A_137 = arith.cmpi ne, %convert_element_type3A_135, %cond3A_136 : i32
      scf.if %cond3A_137 {
        "tpu.region"() ({
          %run_scoped3A = tpu.sem_alloc : memref<!tpu.dma_semaphore, #tpu.memory_space<semaphore_mem>>
          %dma_start3A_138 = arith.constant 0 : i32
          %dma_start3A_139 = arith.constant 0 : i32
          %dma_start3A_140 = tpu.memref_slice %arg9[%dma_start3A_138, %dma_start3A_139] : memref<128x128xf32, #tpu.memory_space<vmem>> -> memref<16x128xf32, #tpu.memory_space<vmem>>
          %dma_start3A_141 = arith.constant 9984 : i32
          %dma_start3A_142 = arith.constant 0 : i32
          %dma_start3A_143 = tpu.memref_slice %arg11[%dma_start3A_141, %dma_start3A_142] : memref<10000x128xf32, #tpu.memory_space<vmem_shared>> -> memref<16x128xf32, #tpu.memory_space<vmem_shared>>
          %dma_start3A_144 = arith.constant 9984 : i32
          %dma_start3A_145 = arith.constant 0 : i32
          %dma_start3A_146 = tpu.memref_slice %arg11[%dma_start3A_144, %dma_start3A_145] : memref<10000x128xf32, #tpu.memory_space<vmem_shared>> -> memref<16x128xf32, #tpu.memory_space<vmem_shared>>
          %dma_start3A_147 = arith.constant 0 : i32
          %dma_start3A_148 = arith.constant 0 : i32
          %dma_start3A_149 = tpu.memref_slice %arg9[%dma_start3A_147, %dma_start3A_148] : memref<128x128xf32, #tpu.memory_space<vmem>> -> memref<16x128xf32, #tpu.memory_space<vmem>>
          tpu.enqueue_dma source(%dma_start3A_149 : memref<16x128xf32, #tpu.memory_space<vmem>>) target(%dma_start3A_146 : memref<16x128xf32, #tpu.memory_space<vmem_shared>>) target_semaphore(%run_scoped3A : memref<!tpu.dma_semaphore, #tpu.memory_space<semaphore_mem>>)
          %dma_wait3A_150 = arith.constant 0 : i32
          %dma_wait3A_151 = arith.constant 0 : i32
          %dma_wait3A_152 = tpu.memref_slice %arg9[%dma_wait3A_150, %dma_wait3A_151] : memref<128x128xf32, #tpu.memory_space<vmem>> -> memref<16x128xf32, #tpu.memory_space<vmem>>
          %dma_wait3A_153 = arith.constant 9984 : i32
          %dma_wait3A_154 = arith.constant 0 : i32
          %dma_wait3A_155 = tpu.memref_slice %arg11[%dma_wait3A_153, %dma_wait3A_154] : memref<10000x128xf32, #tpu.memory_space<vmem_shared>> -> memref<16x128xf32, #tpu.memory_space<vmem_shared>>
          %dma_wait3A_156 = arith.constant 9984 : i32
          %dma_wait3A_157 = arith.constant 0 : i32
          %dma_wait3A_158 = tpu.memref_slice %arg11[%dma_wait3A_156, %dma_wait3A_157] : memref<10000x128xf32, #tpu.memory_space<vmem_shared>> -> memref<16x128xf32, #tpu.memory_space<vmem_shared>>
          %dma_wait3A_159 = arith.constant 0 : i32
          %dma_wait3A_160 = arith.constant 0 : i32
          %dma_wait3A_161 = tpu.memref_slice %arg9[%dma_wait3A_159, %dma_wait3A_160] : memref<128x128xf32, #tpu.memory_space<vmem>> -> memref<16x128xf32, #tpu.memory_space<vmem>>
          tpu.wait_dma2 semaphore(%run_scoped3A : memref<!tpu.dma_semaphore, #tpu.memory_space<semaphore_mem>>) src(%dma_wait3A_161 : memref<16x128xf32, #tpu.memory_space<vmem>>) dst(%dma_wait3A_158 : memref<16x128xf32, #tpu.memory_space<vmem_shared>>)
          tpu.yield
        }) : () -> ()
      } else {
      }
    } else {
    }
    %dma_wait3A = arith.constant 0 : i32
    %dma_wait3A_43 = arith.constant 0 : i32
    %dma_wait3A_44 = tpu.memref_slice %arg2[%dma_wait3A, %mul3A_2, %dma_wait3A_43] : memref<2x2500x128xi32, #tpu.memory_space<hbm>> -> memref<1x1x128xi32, #tpu.memory_space<hbm>>
    %dma_wait3A_45 = tpu.memref_squeeze %dma_wait3A_44 : memref<1x1x128xi32, #tpu.memory_space<hbm>> -> memref<128xi32, #tpu.memory_space<hbm>>
    %dma_wait3A_46 = arith.constant 0 : i32
    %dma_wait3A_47 = tpu.memref_slice %arg2[%dma_wait3A, %mul3A_2, %dma_wait3A_46] : memref<2x2500x128xi32, #tpu.memory_space<hbm>> -> memref<1x1x128xi32, #tpu.memory_space<hbm>>
    %dma_wait3A_48 = tpu.memref_squeeze %dma_wait3A_47 : memref<1x1x128xi32, #tpu.memory_space<hbm>> -> memref<128xi32, #tpu.memory_space<hbm>>
    tpu.wait_dma2 semaphore(%arg12 : memref<!tpu.dma_semaphore, #tpu.memory_space<semaphore_mem>>) src(%dma_wait3A_48 : memref<128xi32, #tpu.memory_space<hbm>>) dst(%arg5 : memref<128xi32, #tpu.memory_space<vmem>>)
    %dma_start3A_49 = arith.constant 0 : i32
    %dma_start3A_50 = arith.constant 0 : i32
    %dma_start3A_51 = tpu.memref_slice %arg3[%dma_start3A_49, %dma_start3A_50] : memref<10000x128xf32, #tpu.memory_space<hbm>> -> memref<10000x128xf32, #tpu.memory_space<hbm>>
    tpu.enqueue_indirect_dma source(%dma_start3A_51 : memref<10000x128xf32, #tpu.memory_space<hbm>>) target(%arg9 : memref<128x128xf32, #tpu.memory_space<vmem>>) offsets(%arg5 : memref<128xi32, #tpu.memory_space<vmem>>) semaphore(%arg16 : memref<!tpu.dma_semaphore, #tpu.memory_space<semaphore_mem>>)
    %add3A_52 = arith.constant 1 : i32
    %add3A_53 = arith.addi %mul3A_2, %add3A_52 : i32
    %dma_wait3A_54 = arith.constant 0 : i32
    %dma_wait3A_55 = arith.constant 0 : i32
    %dma_wait3A_56 = tpu.memref_slice %arg2[%dma_wait3A_54, %add3A_53, %dma_wait3A_55] : memref<2x2500x128xi32, #tpu.memory_space<hbm>> -> memref<1x1x128xi32, #tpu.memory_space<hbm>>
    %dma_wait3A_57 = tpu.memref_squeeze %dma_wait3A_56 : memref<1x1x128xi32, #tpu.memory_space<hbm>> -> memref<128xi32, #tpu.memory_space<hbm>>
    %dma_wait3A_58 = arith.constant 0 : i32
    %dma_wait3A_59 = tpu.memref_slice %arg2[%dma_wait3A_54, %add3A_53, %dma_wait3A_58] : memref<2x2500x128xi32, #tpu.memory_space<hbm>> -> memref<1x1x128xi32, #tpu.memory_space<hbm>>
    %dma_wait3A_60 = tpu.memref_squeeze %dma_wait3A_59 : memref<1x1x128xi32, #tpu.memory_space<hbm>> -> memref<128xi32, #tpu.memory_space<hbm>>
    tpu.wait_dma2 semaphore(%arg14 : memref<!tpu.dma_semaphore, #tpu.memory_space<semaphore_mem>>) src(%dma_wait3A_60 : memref<128xi32, #tpu.memory_space<hbm>>) dst(%arg7 : memref<128xi32, #tpu.memory_space<vmem>>)
    %dma_start3A_61 = arith.constant 0 : i32
    %dma_start3A_62 = arith.constant 0 : i32
    %dma_start3A_63 = tpu.memref_slice %arg3[%dma_start3A_61, %dma_start3A_62] : memref<10000x128xf32, #tpu.memory_space<hbm>> -> memref<10000x128xf32, #tpu.memory_space<hbm>>
    tpu.enqueue_indirect_dma source(%dma_start3A_63 : memref<10000x128xf32, #tpu.memory_space<hbm>>) target(%arg10 : memref<128x128xf32, #tpu.memory_space<vmem>>) offsets(%arg7 : memref<128xi32, #tpu.memory_space<vmem>>) semaphore(%arg17 : memref<!tpu.dma_semaphore, #tpu.memory_space<semaphore_mem>>)
    %barrier3A = arith.constant 0 : index
    tpu.barrier barrier_id(%barrier3A)
    %scan3A = arith.constant 0 : i32
    %scan3A_64 = arith.constant 0 : i32
    %scan3A_65 = arith.constant 39 : i32
    %scan3A_66 = arith.addi %scan3A_64, %scan3A_65 : i32
    %scan3A_67 = arith.constant 1 : i32
    %scan3A_68 = scf.for %scan3A_100 = %scan3A_64 to %scan3A_66 step %scan3A_67 iter_args(%scan3A_101 = %scan3A) -> (i32)  : i32 {
      %mul3A_102 = arith.constant 2 : i32
      %mul3A_103 = arith.muli %mul3A_102, %scan3A_100 : i32
      %dma_wait3A_104 = arith.constant 0 : i32
      %dma_wait3A_105 = arith.constant 0 : i32
      %dma_wait3A_106 = tpu.memref_slice %arg3[%dma_wait3A_104, %dma_wait3A_105] : memref<10000x128xf32, #tpu.memory_space<hbm>> -> memref<10000x128xf32, #tpu.memory_space<hbm>>
      tpu.wait_indirect_dma semaphore(%arg16 : memref<!tpu.dma_semaphore, #tpu.memory_space<semaphore_mem>>) src(%dma_wait3A_106 : memref<10000x128xf32, #tpu.memory_space<hbm>>) dst(%arg9 : memref<128x128xf32, #tpu.memory_space<vmem>>)
      %add3A_107 = arith.constant 2 : i32
      %add3A_108 = arith.addi %mul3A_103, %add3A_107 : i32
      %min3A = arith.constant 77 : i32
      %min3A_109 = arith.minsi %add3A_108, %min3A : i32
      %add3A_110 = arith.addi %mul3A_2, %min3A_109 : i32
      %dma_start3A_111 = arith.constant 0 : i32
      %dma_start3A_112 = arith.constant 0 : i32
      %dma_start3A_113 = tpu.memref_slice %arg2[%dma_start3A_111, %add3A_110, %dma_start3A_112] : memref<2x2500x128xi32, #tpu.memory_space<hbm>> -> memref<1x1x128xi32, #tpu.memory_space<hbm>>
      %dma_start3A_114 = tpu.memref_squeeze %dma_start3A_113 : memref<1x1x128xi32, #tpu.memory_space<hbm>> -> memref<128xi32, #tpu.memory_space<hbm>>
      %dma_start3A_115 = arith.constant 0 : i32
      %dma_start3A_116 = tpu.memref_slice %arg2[%dma_start3A_111, %add3A_110, %dma_start3A_115] : memref<2x2500x128xi32, #tpu.memory_space<hbm>> -> memref<1x1x128xi32, #tpu.memory_space<hbm>>
      %dma_start3A_117 = tpu.memref_squeeze %dma_start3A_116 : memref<1x1x128xi32, #tpu.memory_space<hbm>> -> memref<128xi32, #tpu.memory_space<hbm>>
      tpu.enqueue_dma source(%dma_start3A_117 : memref<128xi32, #tpu.memory_space<hbm>>) target(%arg5 : memref<128xi32, #tpu.memory_space<vmem>>) target_semaphore(%arg12 : memref<!tpu.dma_semaphore, #tpu.memory_space<semaphore_mem>>)
      %dma_wait3A_118 = arith.constant 1 : i32
      %dma_wait3A_119 = arith.constant 0 : i32
      %dma_wait3A_120 = tpu.memref_slice %arg2[%dma_wait3A_118, %add3A_110, %dma_wait3A_119] : memref<2x2500x128xi32, #tpu.memory_space<hbm>> -> memref<1x1x128xi32, #tpu.memory_space<hbm>>
      %dma_wait3A_121 = tpu.memref_squeeze %dma_wait3A_120 : memref<1x1x128xi32, #tpu.memory_space<hbm>> -> memref<128xi32, #tpu.memory_space<hbm>>
      %dma_wait3A_122 = arith.constant 0 : i32
      %dma_wait3A_123 = tpu.memref_slice %arg2[%dma_wait3A_118, %add3A_110, %dma_wait3A_122] : memref<2x2500x128xi32, #tpu.memory_space<hbm>> -> memref<1x1x128xi32, #tpu.memory_space<hbm>>
      %dma_wait3A_124 = tpu.memref_squeeze %dma_wait3A_123 : memref<1x1x128xi32, #tpu.memory_space<hbm>> -> memref<128xi32, #tpu.memory_space<hbm>>
      tpu.wait_dma2 semaphore(%arg13 : memref<!tpu.dma_semaphore, #tpu.memory_space<semaphore_mem>>) src(%dma_wait3A_124 : memref<128xi32, #tpu.memory_space<hbm>>) dst(%arg6 : memref<128xi32, #tpu.memory_space<vmem>>)
      "tpu.region"() ({
        %run_scoped3A = tpu.sem_alloc : memref<!tpu.dma_semaphore, #tpu.memory_space<semaphore_mem>>
        %dma_start3A_184 = arith.constant 0 : i32
        %dma_start3A_185 = arith.constant 0 : i32
        %dma_start3A_186 = tpu.memref_slice %arg11[%dma_start3A_184, %dma_start3A_185] : memref<10000x128xf32, #tpu.memory_space<vmem_shared>> -> memref<10000x128xf32, #tpu.memory_space<vmem_shared>>
        tpu.enqueue_indirect_dma source(%arg9 : memref<128x128xf32, #tpu.memory_space<vmem>>) target(%dma_start3A_186 : memref<10000x128xf32, #tpu.memory_space<vmem_shared>>) offsets(%arg6 : memref<128xi32, #tpu.memory_space<vmem>>) semaphore(%run_scoped3A : memref<!tpu.dma_semaphore, #tpu.memory_space<semaphore_mem>>) {add = true}
        %dma_wait3A_187 = arith.constant 0 : i32
        %dma_wait3A_188 = arith.constant 0 : i32
        %dma_wait3A_189 = tpu.memref_slice %arg11[%dma_wait3A_187, %dma_wait3A_188] : memref<10000x128xf32, #tpu.memory_space<vmem_shared>> -> memref<10000x128xf32, #tpu.memory_space<vmem_shared>>
        tpu.wait_indirect_dma semaphore(%run_scoped3A : memref<!tpu.dma_semaphore, #tpu.memory_space<semaphore_mem>>) src(%arg9 : memref<128x128xf32, #tpu.memory_space<vmem>>) dst(%dma_wait3A_189 : memref<10000x128xf32, #tpu.memory_space<vmem_shared>>)
        tpu.yield
      }) : () -> ()
      %dma_start3A_125 = arith.constant 1 : i32
      %dma_start3A_126 = arith.constant 0 : i32
      %dma_start3A_127 = tpu.memref_slice %arg2[%dma_start3A_125, %add3A_110, %dma_start3A_126] : memref<2x2500x128xi32, #tpu.memory_space<hbm>> -> memref<1x1x128xi32, #tpu.memory_space<hbm>>
      %dma_start3A_128 = tpu.memref_squeeze %dma_start3A_127 : memref<1x1x128xi32, #tpu.memory_space<hbm>> -> memref<128xi32, #tpu.memory_space<hbm>>
      %dma_start3A_129 = arith.constant 0 : i32
      %dma_start3A_130 = tpu.memref_slice %arg2[%dma_start3A_125, %add3A_110, %dma_start3A_129] : memref<2x2500x128xi32, #tpu.memory_space<hbm>> -> memref<1x1x128xi32, #tpu.memory_space<hbm>>
      %dma_start3A_131 = tpu.memref_squeeze %dma_start3A_130 : memref<1x1x128xi32, #tpu.memory_space<hbm>> -> memref<128xi32, #tpu.memory_space<hbm>>
      tpu.enqueue_dma source(%dma_start3A_131 : memref<128xi32, #tpu.memory_space<hbm>>) target(%arg6 : memref<128xi32, #tpu.memory_space<vmem>>) target_semaphore(%arg13 : memref<!tpu.dma_semaphore, #tpu.memory_space<semaphore_mem>>)
      %dma_wait3A_132 = arith.constant 0 : i32
      %dma_wait3A_133 = arith.constant 0 : i32
      %dma_wait3A_134 = tpu.memref_slice %arg2[%dma_wait3A_132, %add3A_110, %dma_wait3A_133] : memref<2x2500x128xi32, #tpu.memory_space<hbm>> -> memref<1x1x128xi32, #tpu.memory_space<hbm>>
      %dma_wait3A_135 = tpu.memref_squeeze %dma_wait3A_134 : memref<1x1x128xi32, #tpu.memory_space<hbm>> -> memref<128xi32, #tpu.memory_space<hbm>>
      %dma_wait3A_136 = arith.constant 0 : i32
      %dma_wait3A_137 = tpu.memref_slice %arg2[%dma_wait3A_132, %add3A_110, %dma_wait3A_136] : memref<2x2500x128xi32, #tpu.memory_space<hbm>> -> memref<1x1x128xi32, #tpu.memory_space<hbm>>
      %dma_wait3A_138 = tpu.memref_squeeze %dma_wait3A_137 : memref<1x1x128xi32, #tpu.memory_space<hbm>> -> memref<128xi32, #tpu.memory_space<hbm>>
      tpu.wait_dma2 semaphore(%arg12 : memref<!tpu.dma_semaphore, #tpu.memory_space<semaphore_mem>>) src(%dma_wait3A_138 : memref<128xi32, #tpu.memory_space<hbm>>) dst(%arg5 : memref<128xi32, #tpu.memory_space<vmem>>)
      %dma_start3A_139 = arith.constant 0 : i32
      %dma_start3A_140 = arith.constant 0 : i32
      %dma_start3A_141 = tpu.memref_slice %arg3[%dma_start3A_139, %dma_start3A_140] : memref<10000x128xf32, #tpu.memory_space<hbm>> -> memref<10000x128xf32, #tpu.memory_space<hbm>>
      tpu.enqueue_indirect_dma source(%dma_start3A_141 : memref<10000x128xf32, #tpu.memory_space<hbm>>) target(%arg9 : memref<128x128xf32, #tpu.memory_space<vmem>>) offsets(%arg5 : memref<128xi32, #tpu.memory_space<vmem>>) semaphore(%arg16 : memref<!tpu.dma_semaphore, #tpu.memory_space<semaphore_mem>>)
      %add3A_142 = arith.constant 1 : i32
      %add3A_143 = arith.addi %mul3A_103, %add3A_142 : i32
      %dma_wait3A_144 = arith.constant 0 : i32
      %dma_wait3A_145 = arith.constant 0 : i32
      %dma_wait3A_146 = tpu.memref_slice %arg3[%dma_wait3A_144, %dma_wait3A_145] : memref<10000x128xf32, #tpu.memory_space<hbm>> -> memref<10000x128xf32, #tpu.memory_space<hbm>>
      tpu.wait_indirect_dma semaphore(%arg17 : memref<!tpu.dma_semaphore, #tpu.memory_space<semaphore_mem>>) src(%dma_wait3A_146 : memref<10000x128xf32, #tpu.memory_space<hbm>>) dst(%arg10 : memref<128x128xf32, #tpu.memory_space<vmem>>)
      %add3A_147 = arith.constant 2 : i32
      %add3A_148 = arith.addi %add3A_143, %add3A_147 : i32
      %min3A_149 = arith.constant 77 : i32
      %min3A_150 = arith.minsi %add3A_148, %min3A_149 : i32
      %add3A_151 = arith.addi %mul3A_2, %min3A_150 : i32
      %dma_start3A_152 = arith.constant 0 : i32
      %dma_start3A_153 = arith.constant 0 : i32
      %dma_start3A_154 = tpu.memref_slice %arg2[%dma_start3A_152, %add3A_151, %dma_start3A_153] : memref<2x2500x128xi32, #tpu.memory_space<hbm>> -> memref<1x1x128xi32, #tpu.memory_space<hbm>>
      %dma_start3A_155 = tpu.memref_squeeze %dma_start3A_154 : memref<1x1x128xi32, #tpu.memory_space<hbm>> -> memref<128xi32, #tpu.memory_space<hbm>>
      %dma_start3A_156 = arith.constant 0 : i32
      %dma_start3A_157 = tpu.memref_slice %arg2[%dma_start3A_152, %add3A_151, %dma_start3A_156] : memref<2x2500x128xi32, #tpu.memory_space<hbm>> -> memref<1x1x128xi32, #tpu.memory_space<hbm>>
      %dma_start3A_158 = tpu.memref_squeeze %dma_start3A_157 : memref<1x1x128xi32, #tpu.memory_space<hbm>> -> memref<128xi32, #tpu.memory_space<hbm>>
      tpu.enqueue_dma source(%dma_start3A_158 : memref<128xi32, #tpu.memory_space<hbm>>) target(%arg7 : memref<128xi32, #tpu.memory_space<vmem>>) target_semaphore(%arg14 : memref<!tpu.dma_semaphore, #tpu.memory_space<semaphore_mem>>)
      %dma_wait3A_159 = arith.constant 1 : i32
      %dma_wait3A_160 = arith.constant 0 : i32
      %dma_wait3A_161 = tpu.memref_slice %arg2[%dma_wait3A_159, %add3A_151, %dma_wait3A_160] : memref<2x2500x128xi32, #tpu.memory_space<hbm>> -> memref<1x1x128xi32, #tpu.memory_space<hbm>>
      %dma_wait3A_162 = tpu.memref_squeeze %dma_wait3A_161 : memref<1x1x128xi32, #tpu.memory_space<hbm>> -> memref<128xi32, #tpu.memory_space<hbm>>
      %dma_wait3A_163 = arith.constant 0 : i32
      %dma_wait3A_164 = tpu.memref_slice %arg2[%dma_wait3A_159, %add3A_151, %dma_wait3A_163] : memref<2x2500x128xi32, #tpu.memory_space<hbm>> -> memref<1x1x128xi32, #tpu.memory_space<hbm>>
      %dma_wait3A_165 = tpu.memref_squeeze %dma_wait3A_164 : memref<1x1x128xi32, #tpu.memory_space<hbm>> -> memref<128xi32, #tpu.memory_space<hbm>>
      tpu.wait_dma2 semaphore(%arg15 : memref<!tpu.dma_semaphore, #tpu.memory_space<semaphore_mem>>) src(%dma_wait3A_165 : memref<128xi32, #tpu.memory_space<hbm>>) dst(%arg8 : memref<128xi32, #tpu.memory_space<vmem>>)
      "tpu.region"() ({
        %run_scoped3A = tpu.sem_alloc : memref<!tpu.dma_semaphore, #tpu.memory_space<semaphore_mem>>
        %dma_start3A_184 = arith.constant 0 : i32
        %dma_start3A_185 = arith.constant 0 : i32
        %dma_start3A_186 = tpu.memref_slice %arg11[%dma_start3A_184, %dma_start3A_185] : memref<10000x128xf32, #tpu.memory_space<vmem_shared>> -> memref<10000x128xf32, #tpu.memory_space<vmem_shared>>
        tpu.enqueue_indirect_dma source(%arg10 : memref<128x128xf32, #tpu.memory_space<vmem>>) target(%dma_start3A_186 : memref<10000x128xf32, #tpu.memory_space<vmem_shared>>) offsets(%arg8 : memref<128xi32, #tpu.memory_space<vmem>>) semaphore(%run_scoped3A : memref<!tpu.dma_semaphore, #tpu.memory_space<semaphore_mem>>) {add = true}
        %dma_wait3A_187 = arith.constant 0 : i32
        %dma_wait3A_188 = arith.constant 0 : i32
        %dma_wait3A_189 = tpu.memref_slice %arg11[%dma_wait3A_187, %dma_wait3A_188] : memref<10000x128xf32, #tpu.memory_space<vmem_shared>> -> memref<10000x128xf32, #tpu.memory_space<vmem_shared>>
        tpu.wait_indirect_dma semaphore(%run_scoped3A : memref<!tpu.dma_semaphore, #tpu.memory_space<semaphore_mem>>) src(%arg10 : memref<128x128xf32, #tpu.memory_space<vmem>>) dst(%dma_wait3A_189 : memref<10000x128xf32, #tpu.memory_space<vmem_shared>>)
        tpu.yield
      }) : () -> ()
      %dma_start3A_166 = arith.constant 1 : i32
      %dma_start3A_167 = arith.constant 0 : i32
      %dma_start3A_168 = tpu.memref_slice %arg2[%dma_start3A_166, %add3A_151, %dma_start3A_167] : memref<2x2500x128xi32, #tpu.memory_space<hbm>> -> memref<1x1x128xi32, #tpu.memory_space<hbm>>
      %dma_start3A_169 = tpu.memref_squeeze %dma_start3A_168 : memref<1x1x128xi32, #tpu.memory_space<hbm>> -> memref<128xi32, #tpu.memory_space<hbm>>
      %dma_start3A_170 = arith.constant 0 : i32
      %dma_start3A_171 = tpu.memref_slice %arg2[%dma_start3A_166, %add3A_151, %dma_start3A_170] : memref<2x2500x128xi32, #tpu.memory_space<hbm>> -> memref<1x1x128xi32, #tpu.memory_space<hbm>>
      %dma_start3A_172 = tpu.memref_squeeze %dma_start3A_171 : memref<1x1x128xi32, #tpu.memory_space<hbm>> -> memref<128xi32, #tpu.memory_space<hbm>>
      tpu.enqueue_dma source(%dma_start3A_172 : memref<128xi32, #tpu.memory_space<hbm>>) target(%arg8 : memref<128xi32, #tpu.memory_space<vmem>>) target_semaphore(%arg15 : memref<!tpu.dma_semaphore, #tpu.memory_space<semaphore_mem>>)
      %dma_wait3A_173 = arith.constant 0 : i32
      %dma_wait3A_174 = arith.constant 0 : i32
      %dma_wait3A_175 = tpu.memref_slice %arg2[%dma_wait3A_173, %add3A_151, %dma_wait3A_174] : memref<2x2500x128xi32, #tpu.memory_space<hbm>> -> memref<1x1x128xi32, #tpu.memory_space<hbm>>
      %dma_wait3A_176 = tpu.memref_squeeze %dma_wait3A_175 : memref<1x1x128xi32, #tpu.memory_space<hbm>> -> memref<128xi32, #tpu.memory_space<hbm>>
      %dma_wait3A_177 = arith.constant 0 : i32
      %dma_wait3A_178 = tpu.memref_slice %arg2[%dma_wait3A_173, %add3A_151, %dma_wait3A_177] : memref<2x2500x128xi32, #tpu.memory_space<hbm>> -> memref<1x1x128xi32, #tpu.memory_space<hbm>>
      %dma_wait3A_179 = tpu.memref_squeeze %dma_wait3A_178 : memref<1x1x128xi32, #tpu.memory_space<hbm>> -> memref<128xi32, #tpu.memory_space<hbm>>
      tpu.wait_dma2 semaphore(%arg14 : memref<!tpu.dma_semaphore, #tpu.memory_space<semaphore_mem>>) src(%dma_wait3A_179 : memref<128xi32, #tpu.memory_space<hbm>>) dst(%arg7 : memref<128xi32, #tpu.memory_space<vmem>>)
      %dma_start3A_180 = arith.constant 0 : i32
      %dma_start3A_181 = arith.constant 0 : i32
      %dma_start3A_182 = tpu.memref_slice %arg3[%dma_start3A_180, %dma_start3A_181] : memref<10000x128xf32, #tpu.memory_space<hbm>> -> memref<10000x128xf32, #tpu.memory_space<hbm>>
      tpu.enqueue_indirect_dma source(%dma_start3A_182 : memref<10000x128xf32, #tpu.memory_space<hbm>>) target(%arg10 : memref<128x128xf32, #tpu.memory_space<vmem>>) offsets(%arg7 : memref<128xi32, #tpu.memory_space<vmem>>) semaphore(%arg17 : memref<!tpu.dma_semaphore, #tpu.memory_space<semaphore_mem>>)
      %scan3A_183 = arith.constant 0 : i32
      scf.yield %scan3A_183 : i32
    }
    %scan3A_69 = arith.constant 39 : i32
    %dma_wait3A_70 = arith.constant 0 : i32
    %dma_wait3A_71 = arith.constant 0 : i32
    %dma_wait3A_72 = tpu.memref_slice %arg3[%dma_wait3A_70, %dma_wait3A_71] : memref<10000x128xf32, #tpu.memory_space<hbm>> -> memref<10000x128xf32, #tpu.memory_space<hbm>>
    tpu.wait_indirect_dma semaphore(%arg16 : memref<!tpu.dma_semaphore, #tpu.memory_space<semaphore_mem>>) src(%dma_wait3A_72 : memref<10000x128xf32, #tpu.memory_space<hbm>>) dst(%arg9 : memref<128x128xf32, #tpu.memory_space<vmem>>)
    %dma_wait3A_73 = arith.constant 0 : i32
    %dma_wait3A_74 = arith.constant 0 : i32
    %dma_wait3A_75 = tpu.memref_slice %arg3[%dma_wait3A_73, %dma_wait3A_74] : memref<10000x128xf32, #tpu.memory_space<hbm>> -> memref<10000x128xf32, #tpu.memory_space<hbm>>
    tpu.wait_indirect_dma semaphore(%arg17 : memref<!tpu.dma_semaphore, #tpu.memory_space<semaphore_mem>>) src(%dma_wait3A_75 : memref<10000x128xf32, #tpu.memory_space<hbm>>) dst(%arg10 : memref<128x128xf32, #tpu.memory_space<vmem>>)
    %dma_wait3A_76 = arith.constant 1 : i32
    %dma_wait3A_77 = arith.constant 0 : i32
    %dma_wait3A_78 = tpu.memref_slice %arg2[%dma_wait3A_76, %mul3A_2, %dma_wait3A_77] : memref<2x2500x128xi32, #tpu.memory_space<hbm>> -> memref<1x1x128xi32, #tpu.memory_space<hbm>>
    %dma_wait3A_79 = tpu.memref_squeeze %dma_wait3A_78 : memref<1x1x128xi32, #tpu.memory_space<hbm>> -> memref<128xi32, #tpu.memory_space<hbm>>
    %dma_wait3A_80 = arith.constant 0 : i32
    %dma_wait3A_81 = tpu.memref_slice %arg2[%dma_wait3A_76, %mul3A_2, %dma_wait3A_80] : memref<2x2500x128xi32, #tpu.memory_space<hbm>> -> memref<1x1x128xi32, #tpu.memory_space<hbm>>
    %dma_wait3A_82 = tpu.memref_squeeze %dma_wait3A_81 : memref<1x1x128xi32, #tpu.memory_space<hbm>> -> memref<128xi32, #tpu.memory_space<hbm>>
    tpu.wait_dma2 semaphore(%arg13 : memref<!tpu.dma_semaphore, #tpu.memory_space<semaphore_mem>>) src(%dma_wait3A_82 : memref<128xi32, #tpu.memory_space<hbm>>) dst(%arg6 : memref<128xi32, #tpu.memory_space<vmem>>)
    %dma_wait3A_83 = arith.constant 1 : i32
    %dma_wait3A_84 = arith.constant 0 : i32
    %dma_wait3A_85 = tpu.memref_slice %arg2[%dma_wait3A_83, %mul3A_2, %dma_wait3A_84] : memref<2x2500x128xi32, #tpu.memory_space<hbm>> -> memref<1x1x128xi32, #tpu.memory_space<hbm>>
    %dma_wait3A_86 = tpu.memref_squeeze %dma_wait3A_85 : memref<1x1x128xi32, #tpu.memory_space<hbm>> -> memref<128xi32, #tpu.memory_space<hbm>>
    %dma_wait3A_87 = arith.constant 0 : i32
    %dma_wait3A_88 = tpu.memref_slice %arg2[%dma_wait3A_83, %mul3A_2, %dma_wait3A_87] : memref<2x2500x128xi32, #tpu.memory_space<hbm>> -> memref<1x1x128xi32, #tpu.memory_space<hbm>>
    %dma_wait3A_89 = tpu.memref_squeeze %dma_wait3A_88 : memref<1x1x128xi32, #tpu.memory_space<hbm>> -> memref<128xi32, #tpu.memory_space<hbm>>
    tpu.wait_dma2 semaphore(%arg15 : memref<!tpu.dma_semaphore, #tpu.memory_space<semaphore_mem>>) src(%dma_wait3A_89 : memref<128xi32, #tpu.memory_space<hbm>>) dst(%arg8 : memref<128xi32, #tpu.memory_space<vmem>>)
    %lt3A = arith.constant 4 : i32
    %lt3A_90 = arith.cmpi slt, %add3A, %lt3A : i32
    %convert_element_type3A_91 = arith.extui %lt3A_90 : i1 to i32
    %cond3A_92 = arith.constant 0 : i32
    %cond3A_93 = arith.cmpi ne, %convert_element_type3A_91, %cond3A_92 : i32
    scf.if %cond3A_93 {
      %add3A_100 = arith.constant 2496 : i32
      %add3A_101 = arith.addi %add3A_100, %add3A : i32
      %run_scoped3A = arith.constant 0 : i32
      "tpu.region"() ({
        %run_scoped3A_109 = tpu.sem_alloc : memref<!tpu.dma_semaphore, #tpu.memory_space<semaphore_mem>>
        %dma_start3A_110 = arith.constant 0 : i32
        %dma_start3A_111 = tpu.memref_slice %arg2[%run_scoped3A, %add3A_101, %dma_start3A_110] : memref<2x2500x128xi32, #tpu.memory_space<hbm>> -> memref<1x1x128xi32, #tpu.memory_space<hbm>>
        %dma_start3A_112 = tpu.memref_squeeze %dma_start3A_111 : memref<1x1x128xi32, #tpu.memory_space<hbm>> -> memref<128xi32, #tpu.memory_space<hbm>>
        %dma_start3A_113 = arith.constant 0 : i32
        %dma_start3A_114 = tpu.memref_slice %arg2[%run_scoped3A, %add3A_101, %dma_start3A_113] : memref<2x2500x128xi32, #tpu.memory_space<hbm>> -> memref<1x1x128xi32, #tpu.memory_space<hbm>>
        %dma_start3A_115 = tpu.memref_squeeze %dma_start3A_114 : memref<1x1x128xi32, #tpu.memory_space<hbm>> -> memref<128xi32, #tpu.memory_space<hbm>>
        tpu.enqueue_dma source(%dma_start3A_115 : memref<128xi32, #tpu.memory_space<hbm>>) target(%arg5 : memref<128xi32, #tpu.memory_space<vmem>>) target_semaphore(%run_scoped3A_109 : memref<!tpu.dma_semaphore, #tpu.memory_space<semaphore_mem>>)
        %dma_wait3A_116 = arith.constant 0 : i32
        %dma_wait3A_117 = tpu.memref_slice %arg2[%run_scoped3A, %add3A_101, %dma_wait3A_116] : memref<2x2500x128xi32, #tpu.memory_space<hbm>> -> memref<1x1x128xi32, #tpu.memory_space<hbm>>
        %dma_wait3A_118 = tpu.memref_squeeze %dma_wait3A_117 : memref<1x1x128xi32, #tpu.memory_space<hbm>> -> memref<128xi32, #tpu.memory_space<hbm>>
        %dma_wait3A_119 = arith.constant 0 : i32
        %dma_wait3A_120 = tpu.memref_slice %arg2[%run_scoped3A, %add3A_101, %dma_wait3A_119] : memref<2x2500x128xi32, #tpu.memory_space<hbm>> -> memref<1x1x128xi32, #tpu.memory_space<hbm>>
        %dma_wait3A_121 = tpu.memref_squeeze %dma_wait3A_120 : memref<1x1x128xi32, #tpu.memory_space<hbm>> -> memref<128xi32, #tpu.memory_space<hbm>>
        tpu.wait_dma2 semaphore(%run_scoped3A_109 : memref<!tpu.dma_semaphore, #tpu.memory_space<semaphore_mem>>) src(%dma_wait3A_121 : memref<128xi32, #tpu.memory_space<hbm>>) dst(%arg5 : memref<128xi32, #tpu.memory_space<vmem>>)
        tpu.yield
      }) : () -> ()
      %run_scoped3A_102 = arith.constant 1 : i32
      "tpu.region"() ({
        %run_scoped3A_109 = tpu.sem_alloc : memref<!tpu.dma_semaphore, #tpu.memory_space<semaphore_mem>>
        %dma_start3A_110 = arith.constant 0 : i32
        %dma_start3A_111 = tpu.memref_slice %arg2[%run_scoped3A_102, %add3A_101, %dma_start3A_110] : memref<2x2500x128xi32, #tpu.memory_space<hbm>> -> memref<1x1x128xi32, #tpu.memory_space<hbm>>
        %dma_start3A_112 = tpu.memref_squeeze %dma_start3A_111 : memref<1x1x128xi32, #tpu.memory_space<hbm>> -> memref<128xi32, #tpu.memory_space<hbm>>
        %dma_start3A_113 = arith.constant 0 : i32
        %dma_start3A_114 = tpu.memref_slice %arg2[%run_scoped3A_102, %add3A_101, %dma_start3A_113] : memref<2x2500x128xi32, #tpu.memory_space<hbm>> -> memref<1x1x128xi32, #tpu.memory_space<hbm>>
        %dma_start3A_115 = tpu.memref_squeeze %dma_start3A_114 : memref<1x1x128xi32, #tpu.memory_space<hbm>> -> memref<128xi32, #tpu.memory_space<hbm>>
        tpu.enqueue_dma source(%dma_start3A_115 : memref<128xi32, #tpu.memory_space<hbm>>) target(%arg6 : memref<128xi32, #tpu.memory_space<vmem>>) target_semaphore(%run_scoped3A_109 : memref<!tpu.dma_semaphore, #tpu.memory_space<semaphore_mem>>)
        %dma_wait3A_116 = arith.constant 0 : i32
        %dma_wait3A_117 = tpu.memref_slice %arg2[%run_scoped3A_102, %add3A_101, %dma_wait3A_116] : memref<2x2500x128xi32, #tpu.memory_space<hbm>> -> memref<1x1x128xi32, #tpu.memory_space<hbm>>
        %dma_wait3A_118 = tpu.memref_squeeze %dma_wait3A_117 : memref<1x1x128xi32, #tpu.memory_space<hbm>> -> memref<128xi32, #tpu.memory_space<hbm>>
        %dma_wait3A_119 = arith.constant 0 : i32
        %dma_wait3A_120 = tpu.memref_slice %arg2[%run_scoped3A_102, %add3A_101, %dma_wait3A_119] : memref<2x2500x128xi32, #tpu.memory_space<hbm>> -> memref<1x1x128xi32, #tpu.memory_space<hbm>>
        %dma_wait3A_121 = tpu.memref_squeeze %dma_wait3A_120 : memref<1x1x128xi32, #tpu.memory_space<hbm>> -> memref<128xi32, #tpu.memory_space<hbm>>
        tpu.wait_dma2 semaphore(%run_scoped3A_109 : memref<!tpu.dma_semaphore, #tpu.memory_space<semaphore_mem>>) src(%dma_wait3A_121 : memref<128xi32, #tpu.memory_space<hbm>>) dst(%arg6 : memref<128xi32, #tpu.memory_space<vmem>>)
        tpu.yield
      }) : () -> ()
      %dma_start3A_103 = arith.constant 0 : i32
      %dma_start3A_104 = arith.constant 0 : i32
      %dma_start3A_105 = tpu.memref_slice %arg3[%dma_start3A_103, %dma_start3A_104] : memref<10000x128xf32, #tpu.memory_space<hbm>> -> memref<10000x128xf32, #tpu.memory_space<hbm>>
      tpu.enqueue_indirect_dma source(%dma_start3A_105 : memref<10000x128xf32, #tpu.memory_space<hbm>>) target(%arg9 : memref<128x128xf32, #tpu.memory_space<vmem>>) offsets(%arg5 : memref<128xi32, #tpu.memory_space<vmem>>) semaphore(%arg16 : memref<!tpu.dma_semaphore, #tpu.memory_space<semaphore_mem>>)
      %dma_wait3A_106 = arith.constant 0 : i32
      %dma_wait3A_107 = arith.constant 0 : i32
      %dma_wait3A_108 = tpu.memref_slice %arg3[%dma_wait3A_106, %dma_wait3A_107] : memref<10000x128xf32, #tpu.memory_space<hbm>> -> memref<10000x128xf32, #tpu.memory_space<hbm>>
      tpu.wait_indirect_dma semaphore(%arg16 : memref<!tpu.dma_semaphore, #tpu.memory_space<semaphore_mem>>) src(%dma_wait3A_108 : memref<10000x128xf32, #tpu.memory_space<hbm>>) dst(%arg9 : memref<128x128xf32, #tpu.memory_space<vmem>>)
      "tpu.region"() ({
        %run_scoped3A_109 = tpu.sem_alloc : memref<!tpu.dma_semaphore, #tpu.memory_space<semaphore_mem>>
        %dma_start3A_110 = arith.constant 0 : i32
        %dma_start3A_111 = arith.constant 0 : i32
        %dma_start3A_112 = tpu.memref_slice %arg11[%dma_start3A_110, %dma_start3A_111] : memref<10000x128xf32, #tpu.memory_space<vmem_shared>> -> memref<10000x128xf32, #tpu.memory_space<vmem_shared>>
        tpu.enqueue_indirect_dma source(%arg9 : memref<128x128xf32, #tpu.memory_space<vmem>>) target(%dma_start3A_112 : memref<10000x128xf32, #tpu.memory_space<vmem_shared>>) offsets(%arg6 : memref<128xi32, #tpu.memory_space<vmem>>) semaphore(%run_scoped3A_109 : memref<!tpu.dma_semaphore, #tpu.memory_space<semaphore_mem>>) {add = true}
        %dma_wait3A_113 = arith.constant 0 : i32
        %dma_wait3A_114 = arith.constant 0 : i32
        %dma_wait3A_115 = tpu.memref_slice %arg11[%dma_wait3A_113, %dma_wait3A_114] : memref<10000x128xf32, #tpu.memory_space<vmem_shared>> -> memref<10000x128xf32, #tpu.memory_space<vmem_shared>>
        tpu.wait_indirect_dma semaphore(%run_scoped3A_109 : memref<!tpu.dma_semaphore, #tpu.memory_space<semaphore_mem>>) src(%arg9 : memref<128x128xf32, #tpu.memory_space<vmem>>) dst(%dma_wait3A_115 : memref<10000x128xf32, #tpu.memory_space<vmem_shared>>)
        tpu.yield
      }) : () -> ()
    } else {
    }
    %barrier3A_94 = arith.constant 0 : index
    tpu.barrier barrier_id(%barrier3A_94)
    "tpu.region"() ({
      %run_scoped3A = tpu.sem_alloc : memref<!tpu.dma_semaphore, #tpu.memory_space<semaphore_mem>>
      %dma_start3A_100 = arith.constant 0 : i32
      %dma_start3A_101 = tpu.memref_slice %arg4[%arg0, %mul3A_35, %dma_start3A_100] : memref<2x10000x128xf32, #tpu.memory_space<hbm>> -> memref<1x624x128xf32, #tpu.memory_space<hbm>>
      %dma_start3A_102 = tpu.memref_squeeze %dma_start3A_101 : memref<1x624x128xf32, #tpu.memory_space<hbm>> -> memref<624x128xf32, #tpu.memory_space<hbm>>
      %dma_start3A_103 = arith.constant 0 : i32
      %dma_start3A_104 = tpu.memref_slice %arg11[%mul3A_35, %dma_start3A_103] : memref<10000x128xf32, #tpu.memory_space<vmem_shared>> -> memref<624x128xf32, #tpu.memory_space<vmem_shared>>
      tpu.enqueue_dma source(%dma_start3A_104 : memref<624x128xf32, #tpu.memory_space<vmem_shared>>) target(%dma_start3A_102 : memref<624x128xf32, #tpu.memory_space<hbm>>) target_semaphore(%run_scoped3A : memref<!tpu.dma_semaphore, #tpu.memory_space<semaphore_mem>>)
      %dma_wait3A_105 = arith.constant 0 : i32
      %dma_wait3A_106 = tpu.memref_slice %arg4[%arg0, %mul3A_35, %dma_wait3A_105] : memref<2x10000x128xf32, #tpu.memory_space<hbm>> -> memref<1x624x128xf32, #tpu.memory_space<hbm>>
      %dma_wait3A_107 = tpu.memref_squeeze %dma_wait3A_106 : memref<1x624x128xf32, #tpu.memory_space<hbm>> -> memref<624x128xf32, #tpu.memory_space<hbm>>
      %dma_wait3A_108 = arith.constant 0 : i32
      %dma_wait3A_109 = tpu.memref_slice %arg11[%mul3A_35, %dma_wait3A_108] : memref<10000x128xf32, #tpu.memory_space<vmem_shared>> -> memref<624x128xf32, #tpu.memory_space<vmem_shared>>
      tpu.wait_dma2 semaphore(%run_scoped3A : memref<!tpu.dma_semaphore, #tpu.memory_space<semaphore_mem>>) src(%dma_wait3A_109 : memref<624x128xf32, #tpu.memory_space<vmem_shared>>) dst(%dma_wait3A_107 : memref<624x128xf32, #tpu.memory_space<hbm>>)
      tpu.yield
    }) : () -> ()
    %eq3A_95 = arith.constant 15 : i32
    %eq3A_96 = arith.cmpi eq, %arg1, %eq3A_95 : i32
    %convert_element_type3A_97 = arith.extui %eq3A_96 : i1 to i32
    %cond3A_98 = arith.constant 0 : i32
    %cond3A_99 = arith.cmpi ne, %convert_element_type3A_97, %cond3A_98 : i32
    scf.if %cond3A_99 {
      "tpu.region"() ({
        %run_scoped3A = tpu.sem_alloc : memref<!tpu.dma_semaphore, #tpu.memory_space<semaphore_mem>>
        %dma_start3A_100 = arith.constant 9984 : i32
        %dma_start3A_101 = arith.constant 0 : i32
        %dma_start3A_102 = tpu.memref_slice %arg4[%arg0, %dma_start3A_100, %dma_start3A_101] : memref<2x10000x128xf32, #tpu.memory_space<hbm>> -> memref<1x16x128xf32, #tpu.memory_space<hbm>>
        %dma_start3A_103 = tpu.memref_squeeze %dma_start3A_102 : memref<1x16x128xf32, #tpu.memory_space<hbm>> -> memref<16x128xf32, #tpu.memory_space<hbm>>
        %dma_start3A_104 = arith.constant 9984 : i32
        %dma_start3A_105 = arith.constant 0 : i32
        %dma_start3A_106 = tpu.memref_slice %arg11[%dma_start3A_104, %dma_start3A_105] : memref<10000x128xf32, #tpu.memory_space<vmem_shared>> -> memref<16x128xf32, #tpu.memory_space<vmem_shared>>
        tpu.enqueue_dma source(%dma_start3A_106 : memref<16x128xf32, #tpu.memory_space<vmem_shared>>) target(%dma_start3A_103 : memref<16x128xf32, #tpu.memory_space<hbm>>) target_semaphore(%run_scoped3A : memref<!tpu.dma_semaphore, #tpu.memory_space<semaphore_mem>>)
        %dma_wait3A_107 = arith.constant 9984 : i32
        %dma_wait3A_108 = arith.constant 0 : i32
        %dma_wait3A_109 = tpu.memref_slice %arg4[%arg0, %dma_wait3A_107, %dma_wait3A_108] : memref<2x10000x128xf32, #tpu.memory_space<hbm>> -> memref<1x16x128xf32, #tpu.memory_space<hbm>>
        %dma_wait3A_110 = tpu.memref_squeeze %dma_wait3A_109 : memref<1x16x128xf32, #tpu.memory_space<hbm>> -> memref<16x128xf32, #tpu.memory_space<hbm>>
        %dma_wait3A_111 = arith.constant 9984 : i32
        %dma_wait3A_112 = arith.constant 0 : i32
        %dma_wait3A_113 = tpu.memref_slice %arg11[%dma_wait3A_111, %dma_wait3A_112] : memref<10000x128xf32, #tpu.memory_space<vmem_shared>> -> memref<16x128xf32, #tpu.memory_space<vmem_shared>>
        tpu.wait_dma2 semaphore(%run_scoped3A : memref<!tpu.dma_semaphore, #tpu.memory_space<semaphore_mem>>) src(%dma_wait3A_113 : memref<16x128xf32, #tpu.memory_space<vmem_shared>>) dst(%dma_wait3A_110 : memref<16x128xf32, #tpu.memory_space<hbm>>)
        tpu.yield
      }) : () -> ()
    } else {
    }
    return
  }
}

module attributes {stable_mosaic.version = 14 : i64} {
  func.func @_tcp_body(%arg0: memref<10000x128xf32, #tpu.memory_space<vmem>>, %arg1: memref<1x10000xi32, #tpu.memory_space<vmem>>, %arg2: memref<128x16xf32, #tpu.memory_space<vmem>>, %arg3: memref<1x16xf32, #tpu.memory_space<vmem>>, %arg4: memref<128x16xf32, #tpu.memory_space<vmem>>) attributes {dimension_semantics = [], scalar_prefetch = 0 : i64, scratch_operands = 0 : i64, tpu.core_type = #tpu.core_type<tc>} {
    %get3A = arith.constant 0 : index
    %get3A_0 = arith.constant 0 : index
    %get3A_1 = vector.load %arg1[%get3A, %get3A_0] : memref<1x10000xi32, #tpu.memory_space<vmem>>, vector<1x10000xi32>
    %iota3A = tpu.iota {dimensions = array<i32: 0>} : vector<128x10000xi32>
    %eq3A = vector.broadcast %get3A_1 : vector<1x10000xi32> to vector<128x10000xi32>
    %eq3A_2 = arith.cmpi eq, %eq3A, %iota3A : vector<128x10000xi32>
    %convert_element_type3A = arith.extui %eq3A_2 : vector<128x10000xi1> to vector<128x10000xi32>
    %convert_element_type3A_3 = arith.sitofp %convert_element_type3A : vector<128x10000xi32> to vector<128x10000xf32>
    %reduce_sum3A = arith.constant dense<0.000000e+00> : vector<128xf32>
    %reduce_sum3A_4 = vector.multi_reduction <add>, %convert_element_type3A_3, %reduce_sum3A [1] : vector<128x10000xf32> to vector<128xf32>
    %broadcast_in_dim3A = vector.shape_cast %reduce_sum3A_4 : vector<128xf32> to vector<128x1xf32>
    %get3A_5 = arith.constant 0 : index
    %get3A_6 = arith.constant 0 : index
    %get3A_7 = vector.load %arg0[%get3A_5, %get3A_6] : memref<10000x128xf32, #tpu.memory_space<vmem>>, vector<10000x128xf32>
    %dot_general3A = arith.constant dense<0.000000e+00> : vector<128x128xf32>
    %dot_general3A_8 = tpu.matmul %convert_element_type3A_3, %get3A_7, %dot_general3A {dimension_numbers = #tpu.dot_dimension_numbers<[1], [0], [0], [1], [0, 0, 1, 1], [], []>, transpose_lhs_hint = false} : vector<128x10000xf32>, vector<10000x128xf32>, vector<128x128xf32> -> vector<128x128xf32>
    %get3A_9 = arith.constant 0 : index
    %get3A_10 = arith.constant 0 : index
    %get3A_11 = vector.load %arg2[%get3A_9, %get3A_10] : memref<128x16xf32, #tpu.memory_space<vmem>>, vector<128x16xf32>
    %dot_general3A_12 = arith.constant dense<0.000000e+00> : vector<128x16xf32>
    %dot_general3A_13 = tpu.matmul %dot_general3A_8, %get3A_11, %dot_general3A_12 {dimension_numbers = #tpu.dot_dimension_numbers<[1], [0], [0], [1], [0, 0, 1, 1], [], []>, transpose_lhs_hint = false} : vector<128x128xf32>, vector<128x16xf32>, vector<128x16xf32> -> vector<128x16xf32>
    %get3A_14 = arith.constant 0 : index
    %get3A_15 = arith.constant 0 : index
    %get3A_16 = vector.load %arg3[%get3A_14, %get3A_15] : memref<1x16xf32, #tpu.memory_space<vmem>>, vector<1x16xf32>
    %mul3A = vector.broadcast %broadcast_in_dim3A : vector<128x1xf32> to vector<128x16xf32>
    %mul3A_17 = vector.broadcast %get3A_16 : vector<1x16xf32> to vector<128x16xf32>
    %mul3A_18 = arith.mulf %mul3A, %mul3A_17 : vector<128x16xf32>
    %add3A = arith.addf %dot_general3A_13, %mul3A_18 : vector<128x16xf32>
    %swap3A = arith.constant 0 : index
    %swap3A_19 = arith.constant 0 : index
    %swap3A_20 = vector.load %arg4[%swap3A, %swap3A_19] : memref<128x16xf32, #tpu.memory_space<vmem>>, vector<128x16xf32>
    tpu.vector_store %arg4[%swap3A, %swap3A_19], %add3A {strides = array<i32>} : memref<128x16xf32, #tpu.memory_space<vmem>>, vector<128x16xf32>,
    return
  }
}

module attributes {stable_mosaic.version = 14 : i64} {
  func.func @_tc1_body(%arg0: memref<10000x128xf32, #tpu.memory_space<vmem>>, %arg1: memref<128x128xf32, #tpu.memory_space<vmem>>, %arg2: memref<1x128xf32, #tpu.memory_space<vmem>>, %arg3: memref<1x128xf32, #tpu.memory_space<vmem>>, %arg4: memref<1x128xf32, #tpu.memory_space<vmem>>, %arg5: memref<128x128xf32, #tpu.memory_space<vmem>>, %arg6: memref<1x128xf32, #tpu.memory_space<vmem>>, %arg7: memref<1x128xf32, #tpu.memory_space<vmem>>, %arg8: memref<1x128xf32, #tpu.memory_space<vmem>>, %arg9: memref<10000x128xf32, #tpu.memory_space<vmem>>) attributes {dimension_semantics = [], scalar_prefetch = 0 : i64, scratch_operands = 0 : i64, tpu.core_type = #tpu.core_type<tc>} {
    %get3A = arith.constant 0 : index
    %get3A_0 = arith.constant 0 : index
    %get3A_1 = vector.load %arg0[%get3A, %get3A_0] : memref<10000x128xf32, #tpu.memory_space<vmem>>, vector<10000x128xf32>
    %get3A_2 = arith.constant 0 : index
    %get3A_3 = arith.constant 0 : index
    %get3A_4 = vector.load %arg1[%get3A_2, %get3A_3] : memref<128x128xf32, #tpu.memory_space<vmem>>, vector<128x128xf32>
    %get3A_5 = arith.constant 0 : index
    %get3A_6 = arith.constant 0 : index
    %get3A_7 = vector.load %arg2[%get3A_5, %get3A_6] : memref<1x128xf32, #tpu.memory_space<vmem>>, vector<1x128xf32>
    %get3A_8 = arith.constant 0 : index
    %get3A_9 = arith.constant 0 : index
    %get3A_10 = vector.load %arg3[%get3A_8, %get3A_9] : memref<1x128xf32, #tpu.memory_space<vmem>>, vector<1x128xf32>
    %get3A_11 = arith.constant 0 : index
    %get3A_12 = arith.constant 0 : index
    %get3A_13 = vector.load %arg4[%get3A_11, %get3A_12] : memref<1x128xf32, #tpu.memory_space<vmem>>, vector<1x128xf32>
    %get3A_14 = arith.constant 0 : index
    %get3A_15 = arith.constant 0 : index
    %get3A_16 = vector.load %arg5[%get3A_14, %get3A_15] : memref<128x128xf32, #tpu.memory_space<vmem>>, vector<128x128xf32>
    %get3A_17 = arith.constant 0 : index
    %get3A_18 = arith.constant 0 : index
    %get3A_19 = vector.load %arg6[%get3A_17, %get3A_18] : memref<1x128xf32, #tpu.memory_space<vmem>>, vector<1x128xf32>
    %get3A_20 = arith.constant 0 : index
    %get3A_21 = arith.constant 0 : index
    %get3A_22 = vector.load %arg7[%get3A_20, %get3A_21] : memref<1x128xf32, #tpu.memory_space<vmem>>, vector<1x128xf32>
    %get3A_23 = arith.constant 0 : index
    %get3A_24 = arith.constant 0 : index
    %get3A_25 = vector.load %arg8[%get3A_23, %get3A_24] : memref<1x128xf32, #tpu.memory_space<vmem>>, vector<1x128xf32>
    %dot_general3A = arith.constant dense<0.000000e+00> : vector<10000x128xf32>
    %dot_general3A_26 = tpu.matmul %get3A_1, %get3A_4, %dot_general3A {dimension_numbers = #tpu.dot_dimension_numbers<[1], [0], [0], [1], [0, 0, 1, 1], [], []>, transpose_lhs_hint = false} : vector<10000x128xf32>, vector<128x128xf32>, vector<10000x128xf32> -> vector<10000x128xf32>
    %add3A = vector.broadcast %get3A_7 : vector<1x128xf32> to vector<10000x128xf32>
    %add3A_27 = arith.addf %dot_general3A_26, %add3A : vector<10000x128xf32>
    %reduce_sum3A = arith.constant dense<0.000000e+00> : vector<128xf32>
    %reduce_sum3A_28 = vector.multi_reduction <add>, %add3A_27, %reduce_sum3A [0] : vector<10000x128xf32> to vector<128xf32>
    %broadcast_in_dim3A = vector.shape_cast %reduce_sum3A_28 : vector<128xf32> to vector<1x128xf32>
    %div3A = arith.constant 1.000000e+04 : f32
    %div3A_29 = vector.broadcast %div3A : f32 to vector<1x128xf32>
    %div3A_30 = arith.divf %broadcast_in_dim3A, %div3A_29 : vector<1x128xf32>
    %sub3A = vector.broadcast %div3A_30 : vector<1x128xf32> to vector<10000x128xf32>
    %sub3A_31 = arith.subf %add3A_27, %sub3A : vector<10000x128xf32>
    %integer_pow3A = arith.mulf %sub3A_31, %sub3A_31 : vector<10000x128xf32>
    %reduce_sum3A_32 = arith.constant dense<0.000000e+00> : vector<128xf32>
    %reduce_sum3A_33 = vector.multi_reduction <add>, %integer_pow3A, %reduce_sum3A_32 [0] : vector<10000x128xf32> to vector<128xf32>
    %broadcast_in_dim3A_34 = vector.shape_cast %reduce_sum3A_33 : vector<128xf32> to vector<1x128xf32>
    %div3A_35 = arith.constant 1.000000e+04 : f32
    %div3A_36 = vector.broadcast %div3A_35 : f32 to vector<1x128xf32>
    %div3A_37 = arith.divf %broadcast_in_dim3A_34, %div3A_36 : vector<1x128xf32>
    %sub3A_38 = vector.broadcast %div3A_30 : vector<1x128xf32> to vector<10000x128xf32>
    %sub3A_39 = arith.subf %add3A_27, %sub3A_38 : vector<10000x128xf32>
    %add3A_40 = arith.constant 9.99999974E-6 : f32
    %add3A_41 = vector.broadcast %add3A_40 : f32 to vector<1x128xf32>
    %add3A_42 = arith.addf %div3A_37, %add3A_41 : vector<1x128xf32>
    %rsqrt3A = math.rsqrt %add3A_42 : vector<1x128xf32>
    %mul3A = vector.broadcast %rsqrt3A : vector<1x128xf32> to vector<10000x128xf32>
    %mul3A_43 = arith.mulf %sub3A_39, %mul3A : vector<10000x128xf32>
    %mul3A_44 = vector.broadcast %get3A_10 : vector<1x128xf32> to vector<10000x128xf32>
    %mul3A_45 = arith.mulf %mul3A_43, %mul3A_44 : vector<10000x128xf32>
    %add3A_46 = vector.broadcast %get3A_13 : vector<1x128xf32> to vector<10000x128xf32>
    %add3A_47 = arith.addf %mul3A_45, %add3A_46 : vector<10000x128xf32>
    %max3A = arith.constant 0.000000e+00 : f32
    %max3A_48 = vector.broadcast %max3A : f32 to vector<10000x128xf32>
    %max3A_49 = arith.maximumf %add3A_47, %max3A_48 : vector<10000x128xf32>
    %dot_general3A_50 = arith.constant dense<0.000000e+00> : vector<10000x128xf32>
    %dot_general3A_51 = tpu.matmul %max3A_49, %get3A_16, %dot_general3A_50 {dimension_numbers = #tpu.dot_dimension_numbers<[1], [0], [0], [1], [0, 0, 1, 1], [], []>, transpose_lhs_hint = false} : vector<10000x128xf32>, vector<128x128xf32>, vector<10000x128xf32> -> vector<10000x128xf32>
    %add3A_52 = vector.broadcast %get3A_19 : vector<1x128xf32> to vector<10000x128xf32>
    %add3A_53 = arith.addf %dot_general3A_51, %add3A_52 : vector<10000x128xf32>
    %reduce_sum3A_54 = arith.constant dense<0.000000e+00> : vector<128xf32>
    %reduce_sum3A_55 = vector.multi_reduction <add>, %add3A_53, %reduce_sum3A_54 [0] : vector<10000x128xf32> to vector<128xf32>
    %broadcast_in_dim3A_56 = vector.shape_cast %reduce_sum3A_55 : vector<128xf32> to vector<1x128xf32>
    %div3A_57 = arith.constant 1.000000e+04 : f32
    %div3A_58 = vector.broadcast %div3A_57 : f32 to vector<1x128xf32>
    %div3A_59 = arith.divf %broadcast_in_dim3A_56, %div3A_58 : vector<1x128xf32>
    %sub3A_60 = vector.broadcast %div3A_59 : vector<1x128xf32> to vector<10000x128xf32>
    %sub3A_61 = arith.subf %add3A_53, %sub3A_60 : vector<10000x128xf32>
    %integer_pow3A_62 = arith.mulf %sub3A_61, %sub3A_61 : vector<10000x128xf32>
    %reduce_sum3A_63 = arith.constant dense<0.000000e+00> : vector<128xf32>
    %reduce_sum3A_64 = vector.multi_reduction <add>, %integer_pow3A_62, %reduce_sum3A_63 [0] : vector<10000x128xf32> to vector<128xf32>
    %broadcast_in_dim3A_65 = vector.shape_cast %reduce_sum3A_64 : vector<128xf32> to vector<1x128xf32>
    %div3A_66 = arith.constant 1.000000e+04 : f32
    %div3A_67 = vector.broadcast %div3A_66 : f32 to vector<1x128xf32>
    %div3A_68 = arith.divf %broadcast_in_dim3A_65, %div3A_67 : vector<1x128xf32>
    %sub3A_69 = vector.broadcast %div3A_59 : vector<1x128xf32> to vector<10000x128xf32>
    %sub3A_70 = arith.subf %add3A_53, %sub3A_69 : vector<10000x128xf32>
    %add3A_71 = arith.constant 9.99999974E-6 : f32
    %add3A_72 = vector.broadcast %add3A_71 : f32 to vector<1x128xf32>
    %add3A_73 = arith.addf %div3A_68, %add3A_72 : vector<1x128xf32>
    %rsqrt3A_74 = math.rsqrt %add3A_73 : vector<1x128xf32>
    %mul3A_75 = vector.broadcast %rsqrt3A_74 : vector<1x128xf32> to vector<10000x128xf32>
    %mul3A_76 = arith.mulf %sub3A_70, %mul3A_75 : vector<10000x128xf32>
    %mul3A_77 = vector.broadcast %get3A_22 : vector<1x128xf32> to vector<10000x128xf32>
    %mul3A_78 = arith.mulf %mul3A_76, %mul3A_77 : vector<10000x128xf32>
    %add3A_79 = vector.broadcast %get3A_25 : vector<1x128xf32> to vector<10000x128xf32>
    %add3A_80 = arith.addf %mul3A_78, %add3A_79 : vector<10000x128xf32>
    %max3A_81 = arith.constant 0.000000e+00 : f32
    %max3A_82 = vector.broadcast %max3A_81 : f32 to vector<10000x128xf32>
    %max3A_83 = arith.maximumf %add3A_80, %max3A_82 : vector<10000x128xf32>
    %swap3A = arith.constant 0 : index
    %swap3A_84 = arith.constant 0 : index
    %swap3A_85 = vector.load %arg9[%swap3A, %swap3A_84] : memref<10000x128xf32, #tpu.memory_space<vmem>>, vector<10000x128xf32>
    tpu.vector_store %arg9[%swap3A, %swap3A_84], %max3A_83 {strides = array<i32>} : memref<10000x128xf32, #tpu.memory_space<vmem>>, vector<10000x128xf32>,
    return
  }
}

module attributes {stable_mosaic.version = 14 : i64} {
  func.func @_tc2_body(%arg0: memref<2x10000x128xf32, #tpu.memory_space<vmem>>, %arg1: memref<1x10000xi32, #tpu.memory_space<vmem>>, %arg2: memref<128x16xf32, #tpu.memory_space<vmem>>, %arg3: memref<128x128xf32, #tpu.memory_space<vmem>>, %arg4: memref<1x128xf32, #tpu.memory_space<vmem>>, %arg5: memref<1x128xf32, #tpu.memory_space<vmem>>, %arg6: memref<1x128xf32, #tpu.memory_space<vmem>>, %arg7: memref<128x128xf32, #tpu.memory_space<vmem>>, %arg8: memref<1x128xf32, #tpu.memory_space<vmem>>, %arg9: memref<1x128xf32, #tpu.memory_space<vmem>>, %arg10: memref<1x128xf32, #tpu.memory_space<vmem>>, %arg11: memref<128x16xf32, #tpu.memory_space<vmem>>, %arg12: memref<1x16xf32, #tpu.memory_space<vmem>>, %arg13: memref<128x16xf32, #tpu.memory_space<vmem>>) attributes {dimension_semantics = [], scalar_prefetch = 0 : i64, scratch_operands = 0 : i64, tpu.core_type = #tpu.core_type<tc>} {
    %get3A = arith.constant 0 : index
    %get3A_0 = arith.constant 0 : index
    %get3A_1 = arith.constant 0 : index
    %get3A_2 = vector.load %arg0[%get3A, %get3A_0, %get3A_1] : memref<2x10000x128xf32, #tpu.memory_space<vmem>>, vector<1x10000x128xf32>
    %get3A_3 = vector.shape_cast %get3A_2 : vector<1x10000x128xf32> to vector<10000x128xf32>
    %get3A_4 = arith.constant 1 : index
    %get3A_5 = arith.constant 0 : index
    %get3A_6 = arith.constant 0 : index
    %get3A_7 = vector.load %arg0[%get3A_4, %get3A_5, %get3A_6] : memref<2x10000x128xf32, #tpu.memory_space<vmem>>, vector<1x10000x128xf32>
    %get3A_8 = vector.shape_cast %get3A_7 : vector<1x10000x128xf32> to vector<10000x128xf32>
    %add3A = arith.addf %get3A_3, %get3A_8 : vector<10000x128xf32>
    %get3A_9 = arith.constant 0 : index
    %get3A_10 = arith.constant 0 : index
    %get3A_11 = vector.load %arg3[%get3A_9, %get3A_10] : memref<128x128xf32, #tpu.memory_space<vmem>>, vector<128x128xf32>
    %get3A_12 = arith.constant 0 : index
    %get3A_13 = arith.constant 0 : index
    %get3A_14 = vector.load %arg4[%get3A_12, %get3A_13] : memref<1x128xf32, #tpu.memory_space<vmem>>, vector<1x128xf32>
    %get3A_15 = arith.constant 0 : index
    %get3A_16 = arith.constant 0 : index
    %get3A_17 = vector.load %arg5[%get3A_15, %get3A_16] : memref<1x128xf32, #tpu.memory_space<vmem>>, vector<1x128xf32>
    %get3A_18 = arith.constant 0 : index
    %get3A_19 = arith.constant 0 : index
    %get3A_20 = vector.load %arg6[%get3A_18, %get3A_19] : memref<1x128xf32, #tpu.memory_space<vmem>>, vector<1x128xf32>
    %get3A_21 = arith.constant 0 : index
    %get3A_22 = arith.constant 0 : index
    %get3A_23 = vector.load %arg7[%get3A_21, %get3A_22] : memref<128x128xf32, #tpu.memory_space<vmem>>, vector<128x128xf32>
    %get3A_24 = arith.constant 0 : index
    %get3A_25 = arith.constant 0 : index
    %get3A_26 = vector.load %arg8[%get3A_24, %get3A_25] : memref<1x128xf32, #tpu.memory_space<vmem>>, vector<1x128xf32>
    %get3A_27 = arith.constant 0 : index
    %get3A_28 = arith.constant 0 : index
    %get3A_29 = vector.load %arg9[%get3A_27, %get3A_28] : memref<1x128xf32, #tpu.memory_space<vmem>>, vector<1x128xf32>
    %get3A_30 = arith.constant 0 : index
    %get3A_31 = arith.constant 0 : index
    %get3A_32 = vector.load %arg10[%get3A_30, %get3A_31] : memref<1x128xf32, #tpu.memory_space<vmem>>, vector<1x128xf32>
    %dot_general3A = arith.constant dense<0.000000e+00> : vector<10000x128xf32>
    %dot_general3A_33 = tpu.matmul %add3A, %get3A_11, %dot_general3A {dimension_numbers = #tpu.dot_dimension_numbers<[1], [0], [0], [1], [0, 0, 1, 1], [], []>, transpose_lhs_hint = false} : vector<10000x128xf32>, vector<128x128xf32>, vector<10000x128xf32> -> vector<10000x128xf32>
    %add3A_34 = vector.broadcast %get3A_14 : vector<1x128xf32> to vector<10000x128xf32>
    %add3A_35 = arith.addf %dot_general3A_33, %add3A_34 : vector<10000x128xf32>
    %reduce_sum3A = arith.constant dense<0.000000e+00> : vector<128xf32>
    %reduce_sum3A_36 = vector.multi_reduction <add>, %add3A_35, %reduce_sum3A [0] : vector<10000x128xf32> to vector<128xf32>
    %broadcast_in_dim3A = vector.shape_cast %reduce_sum3A_36 : vector<128xf32> to vector<1x128xf32>
    %div3A = arith.constant 1.000000e+04 : f32
    %div3A_37 = vector.broadcast %div3A : f32 to vector<1x128xf32>
    %div3A_38 = arith.divf %broadcast_in_dim3A, %div3A_37 : vector<1x128xf32>
    %sub3A = vector.broadcast %div3A_38 : vector<1x128xf32> to vector<10000x128xf32>
    %sub3A_39 = arith.subf %add3A_35, %sub3A : vector<10000x128xf32>
    %integer_pow3A = arith.mulf %sub3A_39, %sub3A_39 : vector<10000x128xf32>
    %reduce_sum3A_40 = arith.constant dense<0.000000e+00> : vector<128xf32>
    %reduce_sum3A_41 = vector.multi_reduction <add>, %integer_pow3A, %reduce_sum3A_40 [0] : vector<10000x128xf32> to vector<128xf32>
    %broadcast_in_dim3A_42 = vector.shape_cast %reduce_sum3A_41 : vector<128xf32> to vector<1x128xf32>
    %div3A_43 = arith.constant 1.000000e+04 : f32
    %div3A_44 = vector.broadcast %div3A_43 : f32 to vector<1x128xf32>
    %div3A_45 = arith.divf %broadcast_in_dim3A_42, %div3A_44 : vector<1x128xf32>
    %sub3A_46 = vector.broadcast %div3A_38 : vector<1x128xf32> to vector<10000x128xf32>
    %sub3A_47 = arith.subf %add3A_35, %sub3A_46 : vector<10000x128xf32>
    %add3A_48 = arith.constant 9.99999974E-6 : f32
    %add3A_49 = vector.broadcast %add3A_48 : f32 to vector<1x128xf32>
    %add3A_50 = arith.addf %div3A_45, %add3A_49 : vector<1x128xf32>
    %rsqrt3A = math.rsqrt %add3A_50 : vector<1x128xf32>
    %mul3A = vector.broadcast %rsqrt3A : vector<1x128xf32> to vector<10000x128xf32>
    %mul3A_51 = arith.mulf %sub3A_47, %mul3A : vector<10000x128xf32>
    %mul3A_52 = vector.broadcast %get3A_17 : vector<1x128xf32> to vector<10000x128xf32>
    %mul3A_53 = arith.mulf %mul3A_51, %mul3A_52 : vector<10000x128xf32>
    %add3A_54 = vector.broadcast %get3A_20 : vector<1x128xf32> to vector<10000x128xf32>
    %add3A_55 = arith.addf %mul3A_53, %add3A_54 : vector<10000x128xf32>
    %max3A = arith.constant 0.000000e+00 : f32
    %max3A_56 = vector.broadcast %max3A : f32 to vector<10000x128xf32>
    %max3A_57 = arith.maximumf %add3A_55, %max3A_56 : vector<10000x128xf32>
    %dot_general3A_58 = arith.constant dense<0.000000e+00> : vector<10000x128xf32>
    %dot_general3A_59 = tpu.matmul %max3A_57, %get3A_23, %dot_general3A_58 {dimension_numbers = #tpu.dot_dimension_numbers<[1], [0], [0], [1], [0, 0, 1, 1], [], []>, transpose_lhs_hint = false} : vector<10000x128xf32>, vector<128x128xf32>, vector<10000x128xf32> -> vector<10000x128xf32>
    %add3A_60 = vector.broadcast %get3A_26 : vector<1x128xf32> to vector<10000x128xf32>
    %add3A_61 = arith.addf %dot_general3A_59, %add3A_60 : vector<10000x128xf32>
    %reduce_sum3A_62 = arith.constant dense<0.000000e+00> : vector<128xf32>
    %reduce_sum3A_63 = vector.multi_reduction <add>, %add3A_61, %reduce_sum3A_62 [0] : vector<10000x128xf32> to vector<128xf32>
    %broadcast_in_dim3A_64 = vector.shape_cast %reduce_sum3A_63 : vector<128xf32> to vector<1x128xf32>
    %div3A_65 = arith.constant 1.000000e+04 : f32
    %div3A_66 = vector.broadcast %div3A_65 : f32 to vector<1x128xf32>
    %div3A_67 = arith.divf %broadcast_in_dim3A_64, %div3A_66 : vector<1x128xf32>
    %sub3A_68 = vector.broadcast %div3A_67 : vector<1x128xf32> to vector<10000x128xf32>
    %sub3A_69 = arith.subf %add3A_61, %sub3A_68 : vector<10000x128xf32>
    %integer_pow3A_70 = arith.mulf %sub3A_69, %sub3A_69 : vector<10000x128xf32>
    %reduce_sum3A_71 = arith.constant dense<0.000000e+00> : vector<128xf32>
    %reduce_sum3A_72 = vector.multi_reduction <add>, %integer_pow3A_70, %reduce_sum3A_71 [0] : vector<10000x128xf32> to vector<128xf32>
    %broadcast_in_dim3A_73 = vector.shape_cast %reduce_sum3A_72 : vector<128xf32> to vector<1x128xf32>
    %div3A_74 = arith.constant 1.000000e+04 : f32
    %div3A_75 = vector.broadcast %div3A_74 : f32 to vector<1x128xf32>
    %div3A_76 = arith.divf %broadcast_in_dim3A_73, %div3A_75 : vector<1x128xf32>
    %sub3A_77 = vector.broadcast %div3A_67 : vector<1x128xf32> to vector<10000x128xf32>
    %sub3A_78 = arith.subf %add3A_61, %sub3A_77 : vector<10000x128xf32>
    %add3A_79 = arith.constant 9.99999974E-6 : f32
    %add3A_80 = vector.broadcast %add3A_79 : f32 to vector<1x128xf32>
    %add3A_81 = arith.addf %div3A_76, %add3A_80 : vector<1x128xf32>
    %rsqrt3A_82 = math.rsqrt %add3A_81 : vector<1x128xf32>
    %mul3A_83 = vector.broadcast %rsqrt3A_82 : vector<1x128xf32> to vector<10000x128xf32>
    %mul3A_84 = arith.mulf %sub3A_78, %mul3A_83 : vector<10000x128xf32>
    %mul3A_85 = vector.broadcast %get3A_29 : vector<1x128xf32> to vector<10000x128xf32>
    %mul3A_86 = arith.mulf %mul3A_84, %mul3A_85 : vector<10000x128xf32>
    %add3A_87 = vector.broadcast %get3A_32 : vector<1x128xf32> to vector<10000x128xf32>
    %add3A_88 = arith.addf %mul3A_86, %add3A_87 : vector<10000x128xf32>
    %max3A_89 = arith.constant 0.000000e+00 : f32
    %max3A_90 = vector.broadcast %max3A_89 : f32 to vector<10000x128xf32>
    %max3A_91 = arith.maximumf %add3A_88, %max3A_90 : vector<10000x128xf32>
    %get3A_92 = arith.constant 0 : index
    %get3A_93 = arith.constant 0 : index
    %get3A_94 = vector.load %arg1[%get3A_92, %get3A_93] : memref<1x10000xi32, #tpu.memory_space<vmem>>, vector<1x10000xi32>
    %iota3A = tpu.iota {dimensions = array<i32: 0>} : vector<128x10000xi32>
    %eq3A = vector.broadcast %get3A_94 : vector<1x10000xi32> to vector<128x10000xi32>
    %eq3A_95 = arith.cmpi eq, %eq3A, %iota3A : vector<128x10000xi32>
    %convert_element_type3A = arith.extui %eq3A_95 : vector<128x10000xi1> to vector<128x10000xi32>
    %convert_element_type3A_96 = arith.sitofp %convert_element_type3A : vector<128x10000xi32> to vector<128x10000xf32>
    %reduce_sum3A_97 = arith.constant dense<0.000000e+00> : vector<128xf32>
    %reduce_sum3A_98 = vector.multi_reduction <add>, %convert_element_type3A_96, %reduce_sum3A_97 [1] : vector<128x10000xf32> to vector<128xf32>
    %broadcast_in_dim3A_99 = vector.shape_cast %reduce_sum3A_98 : vector<128xf32> to vector<128x1xf32>
    %dot_general3A_100 = arith.constant dense<0.000000e+00> : vector<128x128xf32>
    %dot_general3A_101 = tpu.matmul %convert_element_type3A_96, %max3A_91, %dot_general3A_100 {dimension_numbers = #tpu.dot_dimension_numbers<[1], [0], [0], [1], [0, 0, 1, 1], [], []>, transpose_lhs_hint = false} : vector<128x10000xf32>, vector<10000x128xf32>, vector<128x128xf32> -> vector<128x128xf32>
    %get3A_102 = arith.constant 0 : index
    %get3A_103 = arith.constant 0 : index
    %get3A_104 = vector.load %arg2[%get3A_102, %get3A_103] : memref<128x16xf32, #tpu.memory_space<vmem>>, vector<128x16xf32>
    %get3A_105 = arith.constant 0 : index
    %get3A_106 = arith.constant 0 : index
    %get3A_107 = vector.load %arg11[%get3A_105, %get3A_106] : memref<128x16xf32, #tpu.memory_space<vmem>>, vector<128x16xf32>
    %dot_general3A_108 = arith.constant dense<0.000000e+00> : vector<128x16xf32>
    %dot_general3A_109 = tpu.matmul %dot_general3A_101, %get3A_107, %dot_general3A_108 {dimension_numbers = #tpu.dot_dimension_numbers<[1], [0], [0], [1], [0, 0, 1, 1], [], []>, transpose_lhs_hint = false} : vector<128x128xf32>, vector<128x16xf32>, vector<128x16xf32> -> vector<128x16xf32>
    %add3A_110 = arith.addf %get3A_104, %dot_general3A_109 : vector<128x16xf32>
    %get3A_111 = arith.constant 0 : index
    %get3A_112 = arith.constant 0 : index
    %get3A_113 = vector.load %arg12[%get3A_111, %get3A_112] : memref<1x16xf32, #tpu.memory_space<vmem>>, vector<1x16xf32>
    %mul3A_114 = vector.broadcast %broadcast_in_dim3A_99 : vector<128x1xf32> to vector<128x16xf32>
    %mul3A_115 = vector.broadcast %get3A_113 : vector<1x16xf32> to vector<128x16xf32>
    %mul3A_116 = arith.mulf %mul3A_114, %mul3A_115 : vector<128x16xf32>
    %add3A_117 = arith.addf %add3A_110, %mul3A_116 : vector<128x16xf32>
    %reduce_max3A = arith.constant dense<0xFF800000> : vector<128xf32>
    %reduce_max3A_118 = vector.multi_reduction <maximumf>, %add3A_117, %reduce_max3A [1] : vector<128x16xf32> to vector<128xf32>
    %broadcast_in_dim3A_119 = vector.shape_cast %reduce_max3A_118 : vector<128xf32> to vector<128x1xf32>
    %sub3A_120 = vector.broadcast %broadcast_in_dim3A_119 : vector<128x1xf32> to vector<128x16xf32>
    %sub3A_121 = arith.subf %add3A_117, %sub3A_120 : vector<128x16xf32>
    %exp3A = math.exp %sub3A_121 : vector<128x16xf32>
    %sub3A_122 = vector.broadcast %broadcast_in_dim3A_119 : vector<128x1xf32> to vector<128x16xf32>
    %sub3A_123 = arith.subf %add3A_117, %sub3A_122 : vector<128x16xf32>
    %reduce_sum3A_124 = arith.constant dense<0.000000e+00> : vector<128xf32>
    %reduce_sum3A_125 = vector.multi_reduction <add>, %exp3A, %reduce_sum3A_124 [1] : vector<128x16xf32> to vector<128xf32>
    %broadcast_in_dim3A_126 = vector.shape_cast %reduce_sum3A_125 : vector<128xf32> to vector<128x1xf32>
    %log3A = math.log %broadcast_in_dim3A_126 : vector<128x1xf32>
    %sub3A_127 = vector.broadcast %log3A : vector<128x1xf32> to vector<128x16xf32>
    %sub3A_128 = arith.subf %sub3A_123, %sub3A_127 : vector<128x16xf32>
    %swap3A = arith.constant 0 : index
    %swap3A_129 = arith.constant 0 : index
    %swap3A_130 = vector.load %arg13[%swap3A, %swap3A_129] : memref<128x16xf32, #tpu.memory_space<vmem>>, vector<128x16xf32>
    tpu.vector_store %arg13[%swap3A, %swap3A_129], %sub3A_128 {strides = array<i32>} : memref<128x16xf32, #tpu.memory_space<vmem>>, vector<128x16xf32>,
    return
  }
}

</mosaic_0001>

<sc_bundles>
// kernel: kernel.6.cloned.1.call-start
scs
__scs_entry_jumppad:
0x0: {  	(pc) =	sbr.rel $0x88, $3  }
0x1: {  	(tag) =	ssettag $0x0;
	lr =	simm.s32 $0x1  }
0x2: {  	[smem:$0x3F8A] =	sst lr;
	_ =	strace $0xD0000000  }
0x3: {  	_ = 	snop  }
0x4: {  	_ = 	snop  }
0x5: {  	_ = 	snop  }
0x6: {  	_ = 	snop  }
0x7: {  	_ = 	snop  }
__scs_overlays_trampoline_lowered:
0x8: {  	[smem:$0x3F99] =	sst s0  }
0x9: {  	[smem:$0x3F9A] =	sst s1  }
0xa: {  	[smem:$0x3F9B] =	sst s2  }
0xb: {  	[smem:$0x3F9C] =	sst s3  }
0xc: {  	[smem:$0x3F9D] =	sst s4  }
0xd: {  	[smem:$0x3F9E] =	sst s5  }
0xe: {  	[smem:$0x3F9F] =	sst s6  }
0xf: {  	[smem:$0x3FA0] =	sst s7  }
0x10: {  	[smem:$0x3FA1] =	sst s8  }
0x11: {  	[smem:$0x3FA2] =	sst s9;
	s0 =	simm.s32 @!p0 $0x0  }
0x12: {  	s1 =	sld [smem:$0x3F88];
	s0 =	simm.s32 @p0 $0x1  }
0x13: {  	[smem:$0x3FA3] =	sst s0;
	s0 =	simm.s32 @!p1 $0x0  }
0x14: {  	s2 =	sld [smem:$0x3F87];
	s0 =	simm.s32 @p1 $0x1  }
0x15: {  	[smem:$0x3FA4] =	sst s0;
	s0 =	simm.s32 @!p2 $0x0  }
0x16: {  	s3 =	sld [smem:$0x3FDB];
	s0 =	simm.s32 @p2 $0x1  }
0x17: {  	s4 =	simm.s32 $0x1BF5;
	[smem:$0x3FA6] =	sst s0  }
0x18: {  	s0 =	sld [smem:$0x3F89];
	_ =	swait.ge [sflag:s4], $0x0  }
0x19: {  	s7 =	sld [smem:$0x3F8A]  }
0x1a: {  	s8 =	sadd.s32 $0xFFFFE003, lr  }
0x1b: {  	s9 =	sadd.s32 $0xFFFFFEF7, lr;
	s5 =	simm.s32 $0xFFFFFFFF;
	p2 =	slt.u32 s8, $0xFFFFF086  }
0x1c: {  	p1 =	slt.u32 s9, $0xF7A;
	s5 =	simm.s32 @!p2 $0x0  }
0x1d: {  	s5 =	simm.s32 @p1 $0x1;
	p0 =	seq.s32 s7, s2  }
0x1e: {  	s7 =	smul.u32 @!p0 $0xF7A, s2;
	p2 =	seq.s32 @!p0 s5, $0x0  }
0x1f: {  	s9 =	smul.u32 $0xF7A, s1;
	s8 =	simm.s32 @!p0 $0x1BF5;
	p2 =	por !p2, p0  }
0x20: {  	[sflag:s8] =	ssyncset.s32 @!p0 $0xFFFFF086;
	s6 =	sadd.s32 @!p0 s3, s7;
	s7 =	simm.s32 @!p0 $0x108  }
0x21: {  	s3 =	sadd.s32 s3, s9;
	s6 =	sadd.s32 @!p0 $0x88, s6;
	s7 =	simm.s32 @p2 $0x1082  }
0x22: {  	[simem:s7], [sflag:s8] =	dma.local @!p0 [hbm:s6], $0xF7A  }
0x23: {  	s9 =	sor.u32 $0xD0000000, s2;
	s6 =	simm.s32 $0x108;
	_ =	swait.ge @!p0 [sflag:s8], $0x0  }
0x24: {  	s3 =	sadd.s32 $0x88, s3;
	s6 =	simm.s32 @!p1 $0x1082;
	[sflag:s4] =	ssyncset.s32 $0xFFFFF086  }
0x25: {  	[simem:s6], [sflag:s4] =	dma.local [hbm:s3], $0xF7A  }
0x26: {  	[smem:$0x3F8A] =	sst s1;
	(tag) =	ssettag s2;
	_ =	strace s9  }
0x27: {  	s1 =	sld [smem:$0x3F9A]  }
0x28: {  	s2 =	sld [smem:$0x3F9B]  }
0x29: {  	s4 =	sld [smem:$0x3F9D]  }
0x2a: {  	p0 =	seq.s32 s5, $0x0;
	s5 =	sld [smem:$0x3F9E]  }
0x2b: {  	s6 =	sld [smem:$0x3F9F]  }
0x2c: {  	s7 =	sld [smem:$0x3FA0]  }
0x2d: {  	s3 =	simm.s32 $0x108;
	s8 =	sld [smem:$0x3FA1]  }
0x2e: {  	s3 =	simm.s32 @!p0 $0x1082;
	s9 =	sld [smem:$0x3FA2]  }
0x2f: {  	lr =	sadd.s32 s0, s3;
	s0 =	sld [smem:$0x3F99]  }
0x30: {  	s3 =	sld [smem:$0x3F9C]  }
0x31: {  	[smem:$0x3FA5] =	sst s10  }
0x32: {  	s10 =	sld [smem:$0x3FA3];
	_ =	sdelay $0x3  }
0x33: {  	p0 =	seq.s32 s10, $0x1;
	s10 =	sld [smem:$0x3FA5];
	_ =	sdelay $0x3  }
0x34: {  	[smem:$0x3FA5] =	sst s10  }
0x35: {  	s10 =	sld [smem:$0x3FA4];
	_ =	sdelay $0x3  }
0x36: {  	p1 =	seq.s32 s10, $0x1;
	s10 =	sld [smem:$0x3FA5];
	_ =	sdelay $0x3  }
0x37: {  	[smem:$0x3FA5] =	sst s10  }
0x38: {  	s10 =	sld [smem:$0x3FA6]  }
0x39: {  	_ = 	snop;
	(pc) =	sbr.ind lr, $3  }
0x3a: {  	_ = 	snop  }
0x3b: {  	_ = 	snop  }
0x3c: {  	p2 =	seq.s32 s10, $0x1;
	s10 =	sld [smem:$0x3FA5]  }
0x3d: {  	_ =	shalt  }
0x3e: {  	_ =	shalt  }
0x3f: {  	_ =	shalt  }
0x40: {  	_ =	shalt  }
0x41: {  	_ =	shalt  }
0x42: {  	_ =	shalt  }
0x43: {  	_ =	shalt  }
0x44: {  	_ =	shalt  }
0x45: {  	_ =	shalt  }
0x46: {  	_ =	shalt  }
0x47: {  	_ =	shalt  }
0x48: {  	_ =	shalt  }
0x49: {  	_ =	shalt  }
0x4a: {  	_ =	shalt  }
0x4b: {  	_ =	shalt  }
0x4c: {  	_ =	shalt  }
0x4d: {  	_ =	shalt  }
0x4e: {  	_ =	shalt  }
0x4f: {  	_ =	shalt  }
0x50: {  	_ =	shalt  }
0x51: {  	_ =	shalt  }
0x52: {  	_ =	shalt  }
0x53: {  	_ =	shalt  }
0x54: {  	_ =	shalt  }
0x55: {  	_ =	shalt  }
0x56: {  	_ =	shalt  }
0x57: {  	_ =	shalt  }
0x58: {  	_ =	shalt  }
0x59: {  	_ =	shalt  }
0x5a: {  	_ =	shalt  }
0x5b: {  	_ =	shalt  }
0x5c: {  	_ =	shalt  }
0x5d: {  	_ =	shalt  }
0x5e: {  	_ =	shalt  }
0x5f: {  	_ =	shalt  }
0x60: {  	_ =	shalt  }
0x61: {  	_ =	shalt  }
0x62: {  	_ =	shalt  }
0x63: {  	_ =	shalt  }
0x64: {  	_ =	shalt  }
0x65: {  	_ =	shalt  }
0x66: {  	_ =	shalt  }
0x67: {  	_ =	shalt  }
0x68: {  	_ =	shalt  }
0x69: {  	_ =	shalt  }
0x6a: {  	_ =	shalt  }
0x6b: {  	_ =	shalt  }
0x6c: {  	_ =	shalt  }
0x6d: {  	_ =	shalt  }
0x6e: {  	_ =	shalt  }
0x6f: {  	_ =	shalt  }
0x70: {  	_ =	shalt  }
0x71: {  	_ =	shalt  }
0x72: {  	_ =	shalt  }
0x73: {  	_ =	shalt  }
0x74: {  	_ =	shalt  }
0x75: {  	_ =	shalt  }
0x76: {  	_ =	shalt  }
0x77: {  	_ =	shalt  }
0x78: {  	_ =	shalt  }
0x79: {  	_ =	shalt  }
0x7a: {  	_ =	shalt  }
0x7b: {  	_ =	shalt  }
0x7c: {  	_ =	shalt  }
0x7d: {  	_ =	shalt  }
0x7e: {  	_ =	shalt  }
0x7f: {  	_ =	shalt  }
0x80: {  	_ =	shalt  }
0x81: {  	_ =	shalt  }
0x82: {  	_ =	shalt  }
0x83: {  	_ =	shalt  }
0x84: {  	_ =	shalt  }
0x85: {  	_ =	shalt  }
0x86: {  	_ =	shalt  }
0x87: {  	_ =	shalt  }
.Lfunc_end0:
.L_simem_size_0:
called_computation_lowered:
.L_overlay_start_0:
0x88: {  	s2 =	sld [smem:$0x3FD9]  }
0x89: {  	s3 =	sld [smem:$0x3FFE];
	_ =	sdelay $0x1  }
0x8a: {  	s1 =	srdreg.scid  }
0x8b: {  	s0 =	sand.u32 $0x1, s1  }
0x8c: {  	s16 =	sshll.u32 s0, $0xA;
	s2 =	sadd.s32 s3, s2  }
0x8d: {  	s2 =	sadd.s32 s2, s16  }
0x8e: {  	[smem:$0x3FB1] =	sst s2  }
0x8f: {  	_ = 	snop  }
0x90: {  	(tm) =	ssettm $0x1  }
0x91: {  	s17 =	sld [smem:$0x3FFB];
	_ =	sdelay $0x3  }
0x92: {  	_ =	strace s17  }
0x93: {  	s2 =	sld [smem:$0x3FFC];
	_ =	sdelay $0x3  }
0x94: {  	_ =	strace s2  }
0x95: {  	s2 =	sld [smem:$0x3FFD];
	_ =	sdelay $0x3  }
0x96: {  	_ =	strace s2  }
0x97: {  	_ =	strace $0x8FFFFFFF  }
0x98: {  	s18 =	sld [smem:$0x3FDB];
	_ =	sdelay $0x1  }
0x99: {  	s19 =	simm.s32 $_scs_section_size  }
0x9a: {  	s4 =	simm.s32 $_size__tile_overlayer_lowered;
	s5 =	simm.s32 $_tile_overlayer_lowered  }
0x9b: {  	s22 =	simm.s32 $0x1BFF;
	s21 =	sshll.u32 s5, $0x1;
	s2 =	sadd.s32 s19, s18  }
0x9c: {  	s6 =	simm.s32 $0x0;
	s20 =	sshll.u32 s4, $0x1;
	s4 =	sadd.s32 s21, s2  }
0x9d: {  	[timem:s6], [sflag:s22] =	dma.local [hbm:s4], s20  }
0x9e: {  	_ =	swait.ge [sflag:s22], s20  }
0x9f: {  	s3 =	ssub.s32 $0x0, s20;
	[sflag:s22] =	ssyncset.done $0x0  }
0xa0: {  	[sflag:s22] =	ssyncadd.s32 s3;
	_ =	sdelay $0x1  }
0xa1: {  	s23 =	simm.s32 $0x1B8B  }
0xa2: {  	_ =	swait.ge [sflag:s23], $0x1  }
0xa3: {  	[sflag:s23] =	ssyncset.done $0x0  }
0xa4: {  	s25 =	simm.s32 $0x1B8E;
	s24 =	sld [smem:$0x3FFE];
	[sflag:s23] =	ssyncadd.s32 $0xFFFFFFFF  }
0xa5: {  	s26 =	simm.s32 $execute0_lowered;
	[smem:$0x3FD2] =	sst s25  }
0xa6: {  	s4 =	sshll.u32 s26, $0x1;
	_ =	strace $0x80000046;
	[dreg:$0x1] =	wrdreg $0xFFFFFFFF  }
0xa7: {  	s28 =	simm.s32 $_size_execute0_lowered;
	s2 =	sadd.s32 s2, s4;
	[dreg:$0x0] =	wrdreg $0x0  }
0xa8: {  	s4 =	sshll.u32 s28, $0x1;
	[dreg:$0x2] =	wrdreg s2  }
0xa9: {  	[dreg:$0x3] =	wrdreg s4  }
0xaa: {  	[dreg:$0x4] =	wrdreg $0xC0  }
0xab: {  	_ =	task [dreg:s6], $0x5FFFF  }
0xac: {  	[dreg:$0x1] =	wrdreg $0xFFFFFFFF  }
0xad: {  	[dreg:$0x0] =	wrdreg $0x60  }
0xae: {  	[dreg:$0x2] =	wrdreg s24  }
0xaf: {  	[dreg:$0x3] =	wrdreg $0x82000  }
0xb0: {  	[dreg:$0x4] =	wrdreg $0x9  }
0xb1: {  	_ =	task.clear_ibuf [dreg:s6], $0x5FFFF;
	_ =	strace $0x90000046  }
0xb2: {  	s29 =	simm.s32 $0x9;
	_ =	strace $0x80000048  }
0xb3: {  	_ =	swait.ge [sflag:s29], $0x1  }
0xb4: {  	[sflag:s29] =	ssyncadd.s32 $0xFFFFFFFF  }
0xb5: {  	_ =	strace $0x90000048  }
0xb6: {  	_ =	sfence  }
0xb7: {  	s30 =	sld [smem:$0x0];
	_ =	sdelay $0x2  }
0xb8: {  	s31 =	sshll.u32 s1, $0xD;
	s1 =	sshrl.u32 s1, $0x2  }
0xb9: {  	s3 =	sand.u32 $0x4000, s31;
	s1 =	sadd.s32 s1, s30  }
0xba: {  	s0 =	sor.u32 s3, s0;
	s1 =	sshll.u32 s1, $0x11  }
0xbb: {  	s0 =	sor.u32 s1, s0  }
0xbc: {  	s0 =	sadd.s32 $0x8F2B, s0  }
0xbd: {  	[sflag:s0] =	ssyncadd.remote.s32 $0x1  }
0xbe: {  	_ =	sfence.sel $0xFFFF  }
0xbf: {  	[dreg:$0x0] =	wrdreg $0xFFFFFFFF;
	(pc) =	sbr.abs _section_cstart, $3  }
0xc0: {  	[dreg:$0x1] =	wrdreg $0xFFFFFFFF  }
0xc1: {  	_ =	task.clear_ibuf [dreg:s6], $0x2FFFF;
	_ =	strace $0x9FFFFFFF  }
0xc2: {  	(tm) =	ssettm $0x7FFFFFFF  }
0xc3: {  	_ =	shalt  }
tec
execute0_lowered:
.L_overlay_start_1:
0x0: {  	(tag) =	ssettag $0x1  }
0x1: {  	s0 =	rddreg [dreg:$0x0]  }
0x2: {  	s2 =	rddreg [dreg:$0x1]  }
0x3: {  	s1 =	srdreg.scid;
	s15 =	stileid.u32  }
0x4: {  	s3 =	simm.s32 $0x0;
	s28 =	simm.s32 $0x100;
	s29 =	simm.s32 $0x180  }
0x5: {  	s30 =	simm.s32 $0x200;
	s31 =	simm.s32 $0x7;
	s1 =	sand.u32 $0x1, s1  }
0x6: {  	s4 =	sshll.u32 s15, $0x1;
	[smem:$0x7FF] =	sst s3;
	s18 =	smul.u32 $0x4E000, s15  }
0x7: {  	s5 =	sadd.s32 $0x17000, s0;
	s11 =	sadd.s32 $0x3E200, s0;
	s20 =	smul.u32 $0x2700, s15  }
0x8: {  	s26 =	smul.u32 $0x13800, s15;
	p1 =	sne.s32 s15, $0xF;
	p2 =	sgt.u32 s15, $0x1  }
0x9: {  	s6 =	sor.u32 s1, s4;
	_ =	strace $0x80000047;
	s24 =	smul.u32 $0x138800, s1  }
0xa: {  	s4 =	sadd.s32 $0x3600, s0;
	s8 =	ssub.s32 $0x2, s1;
	s7 =	smul.u32 $0x2700, s6  }
0xb: {  	p0 =	seq.s32 s1, $0x1;
	s0 =	sadd.s32 $0x3E000, s0;
	s9 =	smul.u32 $0x300, s6  }
0xc: {  	s10 =	sshrl.u32 s8, $0x1;
	s13 =	smul.u32 $0x4E, s6;
	s21 =	sshrl.u32 s18, $0x2  }
0xd: {  	s22 =	sadd.s32 s5, s20;
	[dreg:$0x9] =	wrdreg s0;
	s23 =	sshll.u32 s6, $0x4  }
0xe: {  	s18 =	smul.u32 $0x9C0, s15;
	s8 =	ssub.s32 s8, s10;
	s10 =	sadd.s32 s21, s2  }
0xf: {  	[dreg:$0x8] =	wrdreg s22;
	s0 =	sadd.s32 s23, s4;
	s6 =	sshrl.u32 s24, $0x3  }
0x10: {  	s22 =	smul.u32 $0x4E00, s15;
	s7 =	sand.u32 $0x7FC00, s7;
	s9 =	sand.u32 $0x300, s9  }
0x11: {  	s25 =	sadd.s32 $0x1800, s10;
	s6 =	sadd.s32 s11, s6;
	s21 =	sadd.s32 s18, s4  }
0x12: {  	s23 =	sadd.s32 $0x4D, s13;
	s15 =	sadd.s32 $0xA800, s10;
	s18 =	sadd.s32 $0xF000, s10  }
0x13: {  	s16 =	sadd.s32 $0x4E400, s7;
	s12 =	sor.u32 s9, s7;
	[dreg:$0xa] =	wrdreg s25  }
0x14: {  	s20 =	sadd.s32 $0x27000, s6;
	s25 =	sshll.u32 s23, $0x7;
	[dreg:$0x14] =	wrdreg s15  }
0x15: {  	[dreg:$0x17] =	wrdreg s18;
	s15 =	simm.s32 $0x2;
	s14 =	sor.u32 s9, s16  }
0x16: {  	s12 =	sshrl.u32 s12, $0x3;
	s9 =	sor.u32 $0x80, s9;
	[dreg:$0xf] =	wrdreg s20  }
0x17: {  	s20 =	smax.u32 s8, $0x1;
	s14 =	sshrl.u32 s14, $0x3;
	s12 =	sadd.s32 s4, s12  }
0x18: {  	s7 =	sor.u32 s7, s9;
	s9 =	sor.u32 s9, s16;
	s16 =	sadd.s32 $0x9C00, s0  }
0x19: {  	s0 =	sadd.s32 $0x13880, s0;
	[dreg:$0x4] =	wrdreg s12;
	s17 =	sadd.s32 s4, s14  }
0x1a: {  	s7 =	sshrl.u32 s7, $0x3;
	s19 =	sshrl.u32 s9, $0x3;
	[dreg:$0xc] =	wrdreg s16  }
0x1b: {  	s12 =	sadd.s32 $0x138000, s2;
	s14 =	sadd.s32 $0x3000, s10;
	[dreg:$0xd] =	wrdreg s0  }
0x1c: {  	s9 =	sadd.s32 $0x4800, s10;
	s16 =	sadd.s32 $0xC000, s10;
	[dreg:$0x5] =	wrdreg s17  }
0x1d: {  	s7 =	sadd.s32 s4, s7;
	[dreg:$0xb] =	wrdreg s14;
	s17 =	sadd.s32 s26, s24  }
0x1e: {  	s24 =	smul.u32 $0x2700, s1;
	s26 =	sadd.s32 $0x4C, s13;
	[dreg:$0x10] =	wrdreg s9  }
0x1f: {  	s13 =	sadd.s32 $0x7800, s10;
	s14 =	sadd.s32 $0x9000, s10;
	[dreg:$0x15] =	wrdreg s16  }
0x20: {  	[dreg:$0x6] =	wrdreg s7;
	s7 =	sadd.s32 s4, s19;
	s0 =	sshrl.u32 s17, $0x3  }
0x21: {  	s19 =	smul.u32 $0x4E0, s1;
	s1 =	sadd.s32 $0x4E400, s25;
	[dreg:$0x12] =	wrdreg s13  }
0x22: {  	s6 =	sshll.u32 s26, $0x7;
	s8 =	sshll.u32 s26, $0x4;
	[dreg:$0x13] =	wrdreg s14  }
0x23: {  	s17 =	sadd.s32 $0xD800, s10;
	s26 =	sadd.s32 $0x12000, s10;
	s13 =	simm.s32 $0x4200  }
0x24: {  	s14 =	simm.s32 $0x5;
	[dreg:$0x7] =	wrdreg s7;
	s0 =	sadd.s32 s11, s0  }
0x25: {  	s7 =	sshll.u32 s23, $0x4;
	s1 =	sshrl.u32 s1, $0x3;
	[dreg:$0x16] =	wrdreg s17  }
0x26: {  	s11 =	sadd.s32 $0x6000, s10;
	[dreg:$0x19] =	wrdreg s26;
	s26 =	simm.s32 $0x80  }
0x27: {  	[dreg:$0xe] =	wrdreg s0;
	s0 =	sadd.s32 s19, s21;
	s21 =	sadd.s32 s24, s22  }
0x28: {  	s22 =	sadd.s32 s4, s7;
	s23 =	sadd.s32 s4, s1;
	s24 =	sadd.s32 s4, s8  }
0x29: {  	[dreg:$0x11] =	wrdreg s11;
	s19 =	sadd.s32 $0x10800, s10;
	s11 =	simm.s32 $0x3  }
0x2a: {  	s1 =	simm.s32 $0x6;
	[dreg:$0x3] =	wrdreg s0;
	s0 =	sadd.s32 $0x4E400, s6  }
0x2b: {  	s7 =	simm.s32 $0x0;
	[dreg:$0x18] =	wrdreg s19;
	s0 =	sshrl.u32 s0, $0x3  }
0x2c: {  	v0 =	vimm.f32 $0.0e+00;
	s6 =	simm.s32 $0x4;
	s25 =	sadd.s32 s4, s0;
	s0 =	simm.s32 $0x1  }
.LBB2_1:
0x2d: {  	s8 =	rddreg [dreg:$0x4]  }
0x2e: {  	[tilespmem:s3], [sflag:$0x1] =	stream.linear.gather [hbm4b:s8+s3], $0x80, $0x38;
	[tilespmem:$0x1BA80] =	vst v63  }
0x2f: {  	s17 =	rddreg [dreg:$0x5]  }
0x30: {  	[tilespmem:s26], [sflag:$0x2] =	stream.linear.gather [hbm4b:s17+s3], $0x80, $0x38;
	[tilespmem:$0x1BA80] =	vst v63  }
.Ltmp0:
0x31: {  	_ = 	snop;
	(pc) =	sbr.rel @!p0 .LBB2_2-.Ltmp0, $4  }
0x32: {  	s18 =	rddreg [dreg:$0x6]  }
0x33: {  	[tilespmem:s28], [sflag:$0x3] =	stream.linear.gather [hbm4b:s18+s3], $0x80, $0x38;
	[tilespmem:$0x1BA80] =	vst v63  }
0x34: {  	s19 =	rddreg [dreg:$0x7];
	s8 =	sshrl.u32 @!p1 s12, $0x3  }
0x35: {  	[tilespmem:s29], [sflag:$0x4] =	stream.linear.gather [hbm4b:s19+s3], $0x80, $0x38;
	[tilespmem:$0x1BA80] =	vst v63  }
0x36: {  	s9 =	sand.u32 $0x7E00, s3  }
0x37: {  	s16 =	sand.u32 $0x70, s3;
	s17 =	sshrl.u32 s9, $0x2  }
0x38: {  	s9 =	simm.s32 $0x40;
	s17 =	sor.u32 s16, s17;
	s16 =	simm.s32 $0x0  }
.LBB2_4:
0x39: {  	p3 =	sne.s32 s9, $0x5FC0  }
0x3a: {  	[tilespmem:s17+$0x200] =	vst v0;
	s16 =	sadd.s32 $0x10, s16;
	s17 =	smov.u32 s9;
	s9 =	sadd.s32 $0x40, s9  }
.Ltmp1:
0x3b: {  	(pc) =	sbr.rel @p3 .LBB2_4-.Ltmp1, $4  }
0x3c: {  	_ = 	snop  }
0x3d: {  	s17 =	sand.u32 $0x7E00, s17  }
0x3e: {  	s18 =	sand.u32 $0x70, s16;
	s17 =	sshrl.u32 s17, $0x2  }
0x3f: {  	s17 =	sor.u32 s18, s17  }
0x40: {  	[tilespmem:s17+$0x200] =	vst v0  }
0x41: {  	[spmem:s10] =	stream.linear.scatter [tilespmem:s30], [sflag:$0x7], $0x1800, $0x38;
	[tilespmem:$0x1BA80] =	vst v63  }
0x42: {  	_ =	swait.ge [sflag:s31], $0x1800  }
0x43: {  	[sflag:s31] =	ssyncset.done $0x0  }
0x44: {  	s9 =	rddreg [dreg:$0xa];
	[sflag:s31] =	ssyncadd.s32 $0xFFFFE800  }
0x45: {  	[spmem:s9] =	stream.linear.scatter [tilespmem:s30], [sflag:$0x7], $0x1800, $0x38;
	[tilespmem:$0x1BA80] =	vst v63  }
0x46: {  	_ =	swait.ge [sflag:s31], $0x1800  }
0x47: {  	[sflag:s31] =	ssyncset.done $0x0  }
0x48: {  	s17 =	rddreg [dreg:$0xb];
	[sflag:s31] =	ssyncadd.s32 $0xFFFFE800  }
0x49: {  	[spmem:s17] =	stream.linear.scatter [tilespmem:s30], [sflag:$0x7], $0x1800, $0x38;
	[tilespmem:$0x1BA80] =	vst v63  }
0x4a: {  	_ =	swait.ge [sflag:s31], $0x1800  }
0x4b: {  	[sflag:s31] =	ssyncset.done $0x0  }
0x4c: {  	s18 =	rddreg [dreg:$0x10];
	[sflag:s31] =	ssyncadd.s32 $0xFFFFE800  }
0x4d: {  	[spmem:s18] =	stream.linear.scatter [tilespmem:s30], [sflag:$0x7], $0x1800, $0x38;
	[tilespmem:$0x1BA80] =	vst v63  }
0x4e: {  	_ =	swait.ge [sflag:s31], $0x1800  }
0x4f: {  	[sflag:s31] =	ssyncset.done $0x0  }
0x50: {  	s19 =	rddreg [dreg:$0x11];
	[sflag:s31] =	ssyncadd.s32 $0xFFFFE800  }
0x51: {  	[spmem:s19] =	stream.linear.scatter [tilespmem:s30], [sflag:$0x7], $0x1800, $0x38;
	[tilespmem:$0x1BA80] =	vst v63  }
0x52: {  	_ =	swait.ge [sflag:s31], $0x1800  }
0x53: {  	[sflag:s31] =	ssyncset.done $0x0  }
0x54: {  	s16 =	rddreg [dreg:$0x12];
	[sflag:s31] =	ssyncadd.s32 $0xFFFFE800  }
0x55: {  	[spmem:s16] =	stream.linear.scatter [tilespmem:s30], [sflag:$0x7], $0x1800, $0x38;
	[tilespmem:$0x1BA80] =	vst v63  }
0x56: {  	_ =	swait.ge [sflag:s31], $0x1800  }
0x57: {  	[sflag:s31] =	ssyncset.done $0x0  }
0x58: {  	s17 =	rddreg [dreg:$0x13];
	[sflag:s31] =	ssyncadd.s32 $0xFFFFE800  }
0x59: {  	[spmem:s17] =	stream.linear.scatter [tilespmem:s30], [sflag:$0x7], $0x1800, $0x38;
	[tilespmem:$0x1BA80] =	vst v63  }
0x5a: {  	_ =	swait.ge [sflag:s31], $0x1800  }
0x5b: {  	[sflag:s31] =	ssyncset.done $0x0  }
0x5c: {  	s18 =	rddreg [dreg:$0x14];
	[sflag:s31] =	ssyncadd.s32 $0xFFFFE800  }
0x5d: {  	[spmem:s18] =	stream.linear.scatter [tilespmem:s30], [sflag:$0x7], $0x1800, $0x38;
	[tilespmem:$0x1BA80] =	vst v63  }
0x5e: {  	_ =	swait.ge [sflag:s31], $0x1800  }
0x5f: {  	[sflag:s31] =	ssyncset.done $0x0  }
0x60: {  	s19 =	rddreg [dreg:$0x15];
	[sflag:s31] =	ssyncadd.s32 $0xFFFFE800  }
0x61: {  	[spmem:s19] =	stream.linear.scatter [tilespmem:s30], [sflag:$0x7], $0x1800, $0x38;
	[tilespmem:$0x1BA80] =	vst v63  }
0x62: {  	_ =	swait.ge [sflag:s31], $0x1800  }
0x63: {  	[sflag:s31] =	ssyncset.done $0x0  }
0x64: {  	s16 =	rddreg [dreg:$0x16];
	[sflag:s31] =	ssyncadd.s32 $0xFFFFE800  }
0x65: {  	[spmem:s16] =	stream.linear.scatter [tilespmem:s30], [sflag:$0x7], $0x1800, $0x38;
	[tilespmem:$0x1BA80] =	vst v63  }
0x66: {  	_ =	swait.ge [sflag:s31], $0x1800  }
0x67: {  	[sflag:s31] =	ssyncset.done $0x0  }
0x68: {  	s17 =	rddreg [dreg:$0x17];
	[sflag:s31] =	ssyncadd.s32 $0xFFFFE800  }
0x69: {  	[spmem:s17] =	stream.linear.scatter [tilespmem:s30], [sflag:$0x7], $0x1800, $0x38;
	[tilespmem:$0x1BA80] =	vst v63  }
0x6a: {  	_ =	swait.ge [sflag:s31], $0x1800  }
0x6b: {  	[sflag:s31] =	ssyncset.done $0x0  }
0x6c: {  	s18 =	rddreg [dreg:$0x18];
	[sflag:s31] =	ssyncadd.s32 $0xFFFFE800  }
0x6d: {  	[spmem:s18] =	stream.linear.scatter [tilespmem:s30], [sflag:$0x7], $0x1800, $0x38;
	[tilespmem:$0x1BA80] =	vst v63  }
0x6e: {  	_ =	swait.ge [sflag:s31], $0x1800  }
0x6f: {  	[sflag:s31] =	ssyncset.done $0x0  }
0x70: {  	s19 =	rddreg [dreg:$0x19];
	[sflag:s31] =	ssyncadd.s32 $0xFFFFE800  }
0x71: {  	[spmem:s19] =	stream.linear.scatter [tilespmem:s30], [sflag:$0x7], $0x1800, $0x38;
	[tilespmem:$0x1BA80] =	vst v63  }
0x72: {  	_ =	swait.ge [sflag:s31], $0x1800  }
0x73: {  	[sflag:s31] =	ssyncset.done $0x0  }
0x74: {  	s9 =	simm.s32 @!p1 $0x200;
	[sflag:s31] =	ssyncadd.s32 $0xFFFFE800  }
0x75: {  	[spmem:s12] =	stream.linear.scatter @!p1 [tilespmem:s9], [sflag:$0x7], $0x800, $0x38;
	[tilespmem:$0x1BA80] =	vst v63  }
.Ltmp2:
0x76: {  	_ = 	snop;
	(pc) =	sbr.rel .LBB2_6-.Ltmp2, $4  }
0x77: {  	s9 =	simm.s32 @!p1 $0x7  }
0x78: {  	_ =	swait.ge @!p1 [sflag:s9], $0x800  }
0x79: {  	[sflag:s9] =	ssyncset.done @!p1 $0x0  }
0x7a: {  	[sflag:s9] =	ssyncadd.s32 @!p1 $0xFFFFF800  }
.LBB2_2:
0x7b: {  	s9 =	stileid.u32  }
0x7c: {  	s9 =	sshll.u32 s9, $0x6  }
0x7d: {  	s16 =	sshrl.u32 s10, $0x3;
	s17 =	rddreg [dreg:$0x8];
	s9 =	sor.u32 $0x1C07, s9  }
0x7e: {  	[spmem:s16], [sflag:s9] =	dma.local [hbm:s17], $0x2700  }
0x7f: {  	_ =	swait.ge [sflag:s31], $0x2700  }
0x80: {  	[sflag:s31] =	ssyncset.done $0x0  }
0x81: {  	s16 =	rddreg [dreg:$0x9];
	[sflag:s31] =	ssyncadd.s32 $0xFFFFD900  }
0x82: {  	[spmem:s8], [sflag:s9] =	dma.local @!p1 [hbm:s16], $0x100  }
0x83: {  	s9 =	simm.s32 @!p1 $0x7  }
0x84: {  	_ =	swait.ge @!p1 [sflag:s9], $0x100  }
0x85: {  	[sflag:s9] =	ssyncset.done @!p1 $0x0  }
0x86: {  	[sflag:s9] =	ssyncadd.s32 @!p1 $0xFFFFFF00  }
.LBB2_6:
0x87: {  	_ =	swait.ge [sflag:s0], $0x80  }
0x88: {  	[sflag:s0] =	ssyncset.done $0x0  }
0x89: {  	s9 =	simm.s32 $0x0;
	[sflag:s0] =	ssyncadd.s32 $0xFFFFFF80  }
0x8a: {  	[tilespmem:s30], [sflag:$0x5] =	stream.indirect.gather [hbm4b:s5+s26], $0x80, s9, s26, $0xb8;
	[tilespmem:$0x1BA80] =	vst v63  }
0x8b: {  	_ =	swait.ge [sflag:s11], $0x80  }
0x8c: {  	[sflag:s11] =	ssyncset.done $0x0  }
0x8d: {  	[sflag:s11] =	ssyncadd.s32 $0xFFFFFF80  }
0x8e: {  	[tilespmem:s13], [sflag:$0x6] =	stream.indirect.gather [hbm4b:s5+s26], $0x80, s28, s26, $0xb8;
	[tilespmem:$0x1BA80] =	vst v63  }
0x8f: {  	[bflag:$0x0] =	sbarrier.arrive $0xFFFF  }
0x90: {  	_ =	swait.ge [sflag:s14], $0x4000  }
0x91: {  	s18 =	rddreg [dreg:$0x3]  }
0x92: {  	[sflag:s14] =	ssyncset.done $0x0;
	s16 =	sadd.s32 $0x0, s18  }
0x93: {  	[sflag:s14] =	ssyncadd.s32 $0xFFFFC000;
	s9 =	sadd.s32 $0x20, s16  }
0x94: {  	[tilespmem:s3], [sflag:$0x1] =	stream.linear.gather [hbm4b:s9+s3], $0x80, $0x38;
	[tilespmem:$0x1BA80] =	vst v63  }
0x95: {  	_ =	swait.ge [sflag:s15], $0x80  }
0x96: {  	s9 =	sadd.s32 $0x100, s21;
	[sflag:s15] =	ssyncset.done $0x0  }
0x97: {  	s17 =	sand.u32 $0x7FFFFF00, s9;
	[sflag:s15] =	ssyncadd.s32 $0xFFFFFF80  }
0x98: {  	[spmem:s2] =	stream.indirect.scatter.add.f32 [tilespmem:s30], [sflag:$0x7], $0x80, s26, s26, $0xb8;
	[tilespmem:$0x1BA80] =	vst v63  }
0x99: {  	s17 =	sadd.s32 $0x4E400, s17;
	_ =	swait.ge [sflag:s31], $0x4000  }
0x9a: {  	s17 =	sshrl.u32 s17, $0x3;
	[sflag:s31] =	ssyncset.done $0x0  }
0x9b: {  	s17 =	sadd.s32 s4, s17;
	[sflag:s31] =	ssyncadd.s32 $0xFFFFC000  }
0x9c: {  	[tilespmem:s26], [sflag:$0x2] =	stream.linear.gather [hbm4b:s17+s3], $0x80, $0x38;
	[tilespmem:$0x1BA80] =	vst v63  }
0x9d: {  	_ =	swait.ge [sflag:s0], $0x80  }
0x9e: {  	[sflag:s0] =	ssyncset.done $0x0  }
0x9f: {  	[sflag:s0] =	ssyncadd.s32 $0xFFFFFF80  }
0xa0: {  	[tilespmem:s30], [sflag:$0x5] =	stream.indirect.gather [hbm4b:s5+s26], $0x80, s3, s26, $0xb8;
	[tilespmem:$0x1BA80] =	vst v63  }
0xa1: {  	_ =	swait.ge [sflag:s1], $0x4000  }
0xa2: {  	[sflag:s1] =	ssyncset.done $0x0  }
0xa3: {  	s16 =	sadd.s32 $0x30, s16;
	[sflag:s1] =	ssyncadd.s32 $0xFFFFC000  }
0xa4: {  	[tilespmem:s28], [sflag:$0x3] =	stream.linear.gather [hbm4b:s16+s3], $0x80, $0x38;
	[tilespmem:$0x1BA80] =	vst v63  }
0xa5: {  	_ =	swait.ge [sflag:s6], $0x80  }
0xa6: {  	s19 =	sadd.s32 $0x180, s21;
	[sflag:s6] =	ssyncset.done $0x0  }
0xa7: {  	s16 =	sand.u32 $0x7FFFFF80, s19;
	[sflag:s6] =	ssyncadd.s32 $0xFFFFFF80  }
0xa8: {  	[spmem:s2] =	stream.indirect.scatter.add.f32 [tilespmem:s13], [sflag:$0x7], $0x80, s29, s26, $0xb8;
	[tilespmem:$0x1BA80] =	vst v63  }
0xa9: {  	s16 =	sadd.s32 $0x4E400, s16;
	_ =	swait.ge [sflag:s31], $0x4000  }
0xaa: {  	s16 =	sshrl.u32 s16, $0x3;
	[sflag:s31] =	ssyncset.done $0x0  }
0xab: {  	s16 =	sadd.s32 s4, s16;
	[sflag:s31] =	ssyncadd.s32 $0xFFFFC000  }
0xac: {  	[tilespmem:s29], [sflag:$0x4] =	stream.linear.gather [hbm4b:s16+s3], $0x80, $0x38;
	[tilespmem:$0x1BA80] =	vst v63  }
0xad: {  	_ =	swait.ge [sflag:s11], $0x80  }
0xae: {  	s16 =	simm.s32 $0x20;
	[sflag:s11] =	ssyncset.done $0x0  }
.LBB2_7:
0xaf: {  	[sflag:s11] =	ssyncadd.s32 $0xFFFFFF80  }
0xb0: {  	[tilespmem:s13], [sflag:$0x6] =	stream.indirect.gather [hbm4b:s5+s26], $0x80, s28, s26, $0xb8;
	[tilespmem:$0x1BA80] =	vst v63  }
0xb1: {  	_ =	swait.ge [sflag:s14], $0x4000  }
0xb2: {  	s17 =	smov.u32 s16;
	s19 =	rddreg [dreg:$0x3]  }
0xb3: {  	[sflag:s14] =	ssyncset.done $0x0;
	s17 =	sadd.s32 s17, s19  }
0xb4: {  	[sflag:s14] =	ssyncadd.s32 $0xFFFFC000;
	s19 =	sadd.s32 $0x20, s17  }
0xb5: {  	[tilespmem:s3], [sflag:$0x1] =	stream.linear.gather [hbm4b:s19+s3], $0x80, $0x38;
	[tilespmem:$0x1BA80] =	vst v63  }
0xb6: {  	_ =	swait.ge [sflag:s15], $0x80  }
0xb7: {  	s18 =	smov.u32 s9;
	s9 =	sadd.s32 $0x100, s9;
	[sflag:s15] =	ssyncset.done $0x0  }
0xb8: {  	s19 =	sand.u32 $0x7FFFFF00, s9;
	[sflag:s15] =	ssyncadd.s32 $0xFFFFFF80  }
0xb9: {  	[spmem:s2] =	stream.indirect.scatter.add.f32 [tilespmem:s30], [sflag:$0x7], $0x80, s26, s26, $0xb8;
	[tilespmem:$0x1BA80] =	vst v63  }
0xba: {  	s19 =	sadd.s32 $0x4E400, s19;
	_ =	swait.ge [sflag:s31], $0x4000  }
0xbb: {  	s19 =	sshrl.u32 s19, $0x3;
	[sflag:s31] =	ssyncset.done $0x0  }
0xbc: {  	s19 =	sadd.s32 s4, s19;
	[sflag:s31] =	ssyncadd.s32 $0xFFFFC000  }
0xbd: {  	[tilespmem:s26], [sflag:$0x2] =	stream.linear.gather [hbm4b:s19+s3], $0x80, $0x38;
	[tilespmem:$0x1BA80] =	vst v63  }
0xbe: {  	_ =	swait.ge [sflag:s0], $0x80  }
0xbf: {  	[sflag:s0] =	ssyncset.done $0x0  }
0xc0: {  	[sflag:s0] =	ssyncadd.s32 $0xFFFFFF80  }
0xc1: {  	[tilespmem:s30], [sflag:$0x5] =	stream.indirect.gather [hbm4b:s5+s26], $0x80, s3, s26, $0xb8;
	[tilespmem:$0x1BA80] =	vst v63  }
0xc2: {  	_ =	swait.ge [sflag:s1], $0x4000  }
0xc3: {  	[sflag:s1] =	ssyncset.done $0x0  }
0xc4: {  	s17 =	sadd.s32 $0x30, s17;
	[sflag:s1] =	ssyncadd.s32 $0xFFFFC000  }
0xc5: {  	[tilespmem:s28], [sflag:$0x3] =	stream.linear.gather [hbm4b:s17+s3], $0x80, $0x38;
	[tilespmem:$0x1BA80] =	vst v63  }
0xc6: {  	_ =	swait.ge [sflag:s6], $0x80  }
0xc7: {  	s19 =	sadd.s32 $0x180, s18;
	[sflag:s6] =	ssyncset.done $0x0  }
0xc8: {  	s17 =	sand.u32 $0x7FFFFF80, s19;
	[sflag:s6] =	ssyncadd.s32 $0xFFFFFF80  }
0xc9: {  	[spmem:s2] =	stream.indirect.scatter.add.f32 [tilespmem:s13], [sflag:$0x7], $0x80, s29, s26, $0xb8;
	[tilespmem:$0x1BA80] =	vst v63  }
0xca: {  	p3 =	sne.s32 s16, $0x480;
	s17 =	sadd.s32 $0x4E400, s17;
	_ =	swait.ge [sflag:s31], $0x4000  }
.Ltmp3:
0xcb: {  	s17 =	sshrl.u32 s17, $0x3;
	[sflag:s31] =	ssyncset.done $0x0;
	(pc) =	sbr.rel @p3 .LBB2_7-.Ltmp3, $4  }
0xcc: {  	s17 =	sadd.s32 s4, s17;
	[sflag:s31] =	ssyncadd.s32 $0xFFFFC000  }
0xcd: {  	[tilespmem:s29], [sflag:$0x4] =	stream.linear.gather [hbm4b:s17+s3], $0x80, $0x38;
	[tilespmem:$0x1BA80] =	vst v63  }
0xce: {  	_ =	swait.ge [sflag:s11], $0x80  }
0xcf: {  	s16 =	sadd.s32 $0x20, s16;
	[sflag:s11] =	ssyncset.done $0x0  }
0xd0: {  	[sflag:s11] =	ssyncadd.s32 $0xFFFFFF80  }
0xd1: {  	[tilespmem:s13], [sflag:$0x6] =	stream.indirect.gather [hbm4b:s5+s26], $0x80, s28, s26, $0xb8;
	[tilespmem:$0x1BA80] =	vst v63  }
0xd2: {  	_ =	swait.ge [sflag:s14], $0x4000  }
0xd3: {  	[sflag:s14] =	ssyncset.done $0x0  }
0xd4: {  	[sflag:s14] =	ssyncadd.s32 $0xFFFFC000  }
0xd5: {  	[tilespmem:s3], [sflag:$0x1] =	stream.linear.gather [hbm4b:s24+s3], $0x80, $0x38;
	[tilespmem:$0x1BA80] =	vst v63  }
0xd6: {  	_ =	swait.ge [sflag:s15], $0x80  }
0xd7: {  	[sflag:s15] =	ssyncset.done $0x0  }
0xd8: {  	[sflag:s15] =	ssyncadd.s32 $0xFFFFFF80  }
0xd9: {  	[spmem:s2] =	stream.indirect.scatter.add.f32 [tilespmem:s30], [sflag:$0x7], $0x80, s26, s26, $0xb8;
	[tilespmem:$0x1BA80] =	vst v63  }
0xda: {  	_ =	swait.ge [sflag:s31], $0x4000  }
0xdb: {  	[sflag:s31] =	ssyncset.done $0x0  }
0xdc: {  	[sflag:s31] =	ssyncadd.s32 $0xFFFFC000  }
0xdd: {  	[tilespmem:s26], [sflag:$0x2] =	stream.linear.gather [hbm4b:s25+s3], $0x80, $0x38;
	[tilespmem:$0x1BA80] =	vst v63  }
0xde: {  	_ =	swait.ge [sflag:s0], $0x80  }
0xdf: {  	[sflag:s0] =	ssyncset.done $0x0  }
0xe0: {  	[sflag:s0] =	ssyncadd.s32 $0xFFFFFF80  }
0xe1: {  	[tilespmem:s30], [sflag:$0x5] =	stream.indirect.gather [hbm4b:s5+s26], $0x80, s3, s26, $0xb8;
	[tilespmem:$0x1BA80] =	vst v63  }
0xe2: {  	_ =	swait.ge [sflag:s1], $0x4000  }
0xe3: {  	[sflag:s1] =	ssyncset.done $0x0  }
0xe4: {  	[sflag:s1] =	ssyncadd.s32 $0xFFFFC000  }
0xe5: {  	[tilespmem:s28], [sflag:$0x3] =	stream.linear.gather [hbm4b:s22+s3], $0x80, $0x38;
	[tilespmem:$0x1BA80] =	vst v63  }
0xe6: {  	_ =	swait.ge [sflag:s6], $0x80  }
0xe7: {  	[sflag:s6] =	ssyncset.done $0x0  }
0xe8: {  	[sflag:s6] =	ssyncadd.s32 $0xFFFFFF80  }
0xe9: {  	[spmem:s2] =	stream.indirect.scatter.add.f32 [tilespmem:s13], [sflag:$0x7], $0x80, s29, s26, $0xb8;
	[tilespmem:$0x1BA80] =	vst v63  }
0xea: {  	_ =	swait.ge [sflag:s31], $0x4000  }
0xeb: {  	[sflag:s31] =	ssyncset.done $0x0  }
0xec: {  	[sflag:s31] =	ssyncadd.s32 $0xFFFFC000  }
0xed: {  	[tilespmem:s29], [sflag:$0x4] =	stream.linear.gather [hbm4b:s23+s3], $0x80, $0x38;
	[tilespmem:$0x1BA80] =	vst v63  }
0xee: {  	_ =	swait.ge [sflag:s11], $0x80  }
0xef: {  	[sflag:s11] =	ssyncset.done $0x0  }
0xf0: {  	[sflag:s11] =	ssyncadd.s32 $0xFFFFFF80  }
0xf1: {  	[tilespmem:s13], [sflag:$0x6] =	stream.indirect.gather [hbm4b:s5+s26], $0x80, s28, s26, $0xb8;
	[tilespmem:$0x1BA80] =	vst v63  }
0xf2: {  	_ =	swait.ge [sflag:s14], $0x4000  }
0xf3: {  	[sflag:s14] =	ssyncset.done $0x0  }
0xf4: {  	[sflag:s14] =	ssyncadd.s32 $0xFFFFC000  }
0xf5: {  	[tilespmem:s3], [sflag:$0x1] =	stream.linear.gather [hbm4b:s22+s3], $0x80, $0x38;
	[tilespmem:$0x1BA80] =	vst v63  }
0xf6: {  	_ =	swait.ge [sflag:s15], $0x80  }
0xf7: {  	[sflag:s15] =	ssyncset.done $0x0  }
0xf8: {  	[sflag:s15] =	ssyncadd.s32 $0xFFFFFF80  }
0xf9: {  	[spmem:s2] =	stream.indirect.scatter.add.f32 [tilespmem:s30], [sflag:$0x7], $0x80, s26, s26, $0xb8;
	[tilespmem:$0x1BA80] =	vst v63  }
0xfa: {  	_ =	swait.ge [sflag:s31], $0x4000  }
0xfb: {  	[sflag:s31] =	ssyncset.done $0x0  }
0xfc: {  	[sflag:s31] =	ssyncadd.s32 $0xFFFFC000  }
0xfd: {  	[tilespmem:s26], [sflag:$0x2] =	stream.linear.gather [hbm4b:s23+s3], $0x80, $0x38;
	[tilespmem:$0x1BA80] =	vst v63  }
0xfe: {  	_ =	swait.ge [sflag:s0], $0x80  }
0xff: {  	[sflag:s0] =	ssyncset.done $0x0  }
0x100: {  	[sflag:s0] =	ssyncadd.s32 $0xFFFFFF80  }
0x101: {  	[tilespmem:s30], [sflag:$0x5] =	stream.indirect.gather [hbm4b:s5+s26], $0x80, s3, s26, $0xb8;
	[tilespmem:$0x1BA80] =	vst v63  }
0x102: {  	_ =	swait.ge [sflag:s1], $0x4000  }
0x103: {  	[sflag:s1] =	ssyncset.done $0x0  }
0x104: {  	[sflag:s1] =	ssyncadd.s32 $0xFFFFC000  }
0x105: {  	[tilespmem:s28], [sflag:$0x3] =	stream.linear.gather [hbm4b:s22+s3], $0x80, $0x38;
	[tilespmem:$0x1BA80] =	vst v63  }
0x106: {  	_ =	swait.ge [sflag:s6], $0x80  }
0x107: {  	[sflag:s6] =	ssyncset.done $0x0  }
0x108: {  	[sflag:s6] =	ssyncadd.s32 $0xFFFFFF80  }
0x109: {  	[spmem:s2] =	stream.indirect.scatter.add.f32 [tilespmem:s13], [sflag:$0x7], $0x80, s29, s26, $0xb8;
	[tilespmem:$0x1BA80] =	vst v63  }
0x10a: {  	_ =	swait.ge [sflag:s31], $0x4000  }
0x10b: {  	[sflag:s31] =	ssyncset.done $0x0  }
0x10c: {  	[sflag:s31] =	ssyncadd.s32 $0xFFFFC000  }
0x10d: {  	[tilespmem:s29], [sflag:$0x4] =	stream.linear.gather [hbm4b:s23+s3], $0x80, $0x38;
	[tilespmem:$0x1BA80] =	vst v63  }
0x10e: {  	_ =	swait.ge [sflag:s11], $0x80  }
0x10f: {  	[sflag:s11] =	ssyncset.done $0x0  }
0x110: {  	[sflag:s11] =	ssyncadd.s32 $0xFFFFFF80  }
0x111: {  	[tilespmem:s13], [sflag:$0x6] =	stream.indirect.gather [hbm4b:s5+s26], $0x80, s28, s26, $0xb8;
	[tilespmem:$0x1BA80] =	vst v63  }
0x112: {  	_ =	swait.ge [sflag:s14], $0x4000  }
0x113: {  	[sflag:s14] =	ssyncset.done $0x0  }
0x114: {  	[sflag:s14] =	ssyncadd.s32 $0xFFFFC000  }
0x115: {  	_ =	swait.ge [sflag:s1], $0x4000  }
0x116: {  	[sflag:s1] =	ssyncset.done $0x0  }
0x117: {  	[sflag:s1] =	ssyncadd.s32 $0xFFFFC000  }
0x118: {  	_ =	swait.ge [sflag:s15], $0x80  }
0x119: {  	[sflag:s15] =	ssyncset.done $0x0  }
0x11a: {  	[sflag:s15] =	ssyncadd.s32 $0xFFFFFF80  }
0x11b: {  	_ =	swait.ge [sflag:s6], $0x80  }
0x11c: {  	[sflag:s6] =	ssyncset.done $0x0  }
0x11d: {  	s9 =	simm.s32 @!p2 $0x0;
	s16 =	rddreg [dreg:$0xc];
	[sflag:s6] =	ssyncadd.s32 $0xFFFFFF80  }
0x11e: {  	[tilespmem:s9], [sflag:$0x7] =	stream.linear.gather @!p2 [hbm4b:s16+s9], $0x80, $0x38;
	[tilespmem:$0x1BA80] =	vst v63  }
0x11f: {  	s16 =	simm.s32 @!p2 $0x7  }
0x120: {  	_ =	swait.ge @!p2 [sflag:s16], $0x80  }
0x121: {  	[sflag:s16] =	ssyncset.done @!p2 $0x0  }
0x122: {  	s17 =	simm.s32 @!p2 $0x80;
	s18 =	rddreg [dreg:$0xd];
	[sflag:s16] =	ssyncadd.s32 @!p2 $0xFFFFFF80  }
0x123: {  	[tilespmem:s17], [sflag:$0x7] =	stream.linear.gather @!p2 [hbm4b:s18+s9], $0x80, $0x38;
	[tilespmem:$0x1BA80] =	vst v63  }
0x124: {  	_ =	swait.ge @!p2 [sflag:s16], $0x80  }
0x125: {  	[sflag:s16] =	ssyncset.done @!p2 $0x0  }
0x126: {  	s18 =	simm.s32 @!p2 $0x200;
	[sflag:s16] =	ssyncadd.s32 @!p2 $0xFFFFFF80  }
0x127: {  	[tilespmem:s18], [sflag:$0x5] =	stream.indirect.gather @!p2 [hbm4b:s5+s17], $0x80, s9, s17, $0xb8;
	[tilespmem:$0x1BA80] =	vst v63  }
0x128: {  	s9 =	simm.s32 @!p2 $0x5  }
0x129: {  	_ =	swait.ge @!p2 [sflag:s9], $0x4000  }
0x12a: {  	[sflag:s9] =	ssyncset.done @!p2 $0x0  }
0x12b: {  	[sflag:s9] =	ssyncadd.s32 @!p2 $0xFFFFC000  }
0x12c: {  	[spmem:s2] =	stream.indirect.scatter.add.f32 @!p2 [tilespmem:s18], [sflag:$0x7], $0x80, s17, s17, $0xb8;
	[tilespmem:$0x1BA80] =	vst v63  }
0x12d: {  	_ =	swait.ge @!p2 [sflag:s16], $0x4000  }
0x12e: {  	[sflag:s16] =	ssyncset.done @!p2 $0x0  }
0x12f: {  	s17 =	stileid.u32;
	[sflag:s16] =	ssyncadd.s32 @!p2 $0xFFFFC000  }
0x130: {  	s9 =	sshll.u32 s17, $0x6;
	[bflag:$0x0] =	sbarrier.arrive $0xFFFF  }
0x131: {  	s18 =	sshrl.u32 s10, $0x3;
	s9 =	sor.u32 $0x1C07, s9;
	s19 =	rddreg [dreg:$0xe]  }
0x132: {  	[hbm:s19], [sflag:s9] =	dma.local [spmem:s18], $0x2700  }
0x133: {  	_ =	swait.ge [sflag:s31], $0x2700  }
0x134: {  	s7 =	sadd.s32 $0x1, s7;
	[sflag:s31] =	ssyncset.done $0x0  }
0x135: {  	p3 =	sne.s32 s7, s20;
	s16 =	rddreg [dreg:$0xf];
	[sflag:s31] =	ssyncadd.s32 $0xFFFFD900  }
0x136: {  	[hbm:s16], [sflag:s9] =	dma.local @!p1 [spmem:s8], $0x100  }
.Ltmp4:
0x137: {  	_ = 	snop;
	(pc) =	sbr.rel @p3 .LBB2_1-.Ltmp4, $4  }
0x138: {  	s8 =	simm.s32 @!p1 $0x7  }
0x139: {  	_ =	swait.ge @!p1 [sflag:s8], $0x100  }
0x13a: {  	[sflag:s8] =	ssyncset.done @!p1 $0x0  }
0x13b: {  	[sflag:s8] =	ssyncadd.s32 @!p1 $0xFFFFFF00  }
0x13c: {  	_ =	sfence.sel $0x180000  }
0x13d: {  	[bflag:$0x0] =	sbarrier.arrive $0xFFFF  }
0x13e: {  	_ =	strace $0x90000047  }
0x13f: {  	s0 =	stileid.u32;
	[bflag:$0x2] =	sbarrier.arrive $0xFFFF  }
0x140: {  	p0 =	sne.s32 s0, $0x0;
	s0 =	rddreg [dreg:$0x2]  }
0x141: {  	s0 =	sadd.s32 @!p0 $0x100000, s0  }
0x142: {  	[sflag:s0] =	ssyncadd.tile.s32 @!p0 $0x1;
	_ =	shalt  }
.Lfunc_end2:
_tile_overlayer_lowered:
.L_overlay_start_2:
0x143: {  	(tag) =	ssettag $0x2  }
0x144: {  	s0 =	rddreg [dreg:$0x0];
	s2 =	stileid.u32  }
0x145: {  	s1 =	rddreg [dreg:$0x1];
	p0 =	sne.s32 s2, $0x0  }
0x146: {  	s3 =	rddreg [dreg:$0x2];
	[bflag:$0x3] =	sbarrier.arrive $0xFFFF;
	s2 =	simm.s32 @!p0 $0x1C07  }
0x147: {  	[timem:s3], [sflag:s2] =	dma.local @!p0 [hbm:s0], s1  }
0x148: {  	s0 =	simm.s32 @!p0 $0x7  }
0x149: {  	_ =	swait.ge @!p0 [sflag:s0], s1  }
0x14a: {  	s1 =	ssub.s32 @!p0 $0x0, s1;
	[sflag:s0] =	ssyncset.done @!p0 $0x0  }
0x14b: {  	[sflag:s0] =	ssyncadd.s32 @!p0 s1  }
0x14c: {  	[bflag:$0x3] =	sbarrier.arrive $0xFFFF  }
0x14d: {  	_ =	shalt  }

</sc_bundles>
